<compile_context>
chip_gen: v7x
topology: tpu7x:2x2x1
jax: 0.10.2.dev20260603
libtpu: 0.0.44.dev20260713+nightly
codegen_flags: <defaults>
</compile_context>

<pallas_src>
import dataclasses

import jax
import jax.numpy as jnp
from jax import lax
from jax.experimental import pallas as pl
from jax.experimental.pallas import tpu as pltpu
from jax.experimental.pallas import tpu_sc as plsc

N = 10000
R = 8
D = 128
E = 320000
EE = 2 * E

NC = 2
NS = 16
NW = NC * NS
PER_W = EE // NW
CHUNK = 80
NCHUNK = PER_W // CHUNK

NP = 10240
ROWS_PER_SUB = NP // NS
DROWS = NP // 16

RBLK = 1000
EBLK = 1024



def _ht_body(h_ref, w_ref, out_ref):
    out_ref[...] = jnp.dot(h_ref[...], w_ref[0],
                           preferred_element_type=jnp.float32)


def _ht_table(h, w_rel):
    nb = N // RBLK
    return pl.pallas_call(
        _ht_body,
        grid=(nb, 2 * R),
        in_specs=[
            pl.BlockSpec((RBLK, D), lambda i, r: (i, 0)),
            pl.BlockSpec((1, D, D), lambda i, r: (r, 0, 0)),
        ],
        out_specs=pl.BlockSpec((RBLK, D), lambda i, r: (r * nb + i, 0)),
        out_shape=jax.ShapeDtypeStruct((2 * R * N, D), jnp.float32),
    )(h, w_rel)



def _sc_body(ht_hbm, gidx_hbm, dst_hbm, zrow_hbm,
             agg_out, deg_out,
             gbuf0, gbuf1, dbuf0, dbuf1, qbuf, rows0, rows1, ones_rows,
             agg_sh, deg_sh, si0, si1, sg0, sg1):
    cid = lax.axis_index("c")
    sid = lax.axis_index("s")
    wid = sid * NC + cid
    gbuf = (gbuf0, gbuf1)
    dbuf = (dbuf0, dbuf1)
    rows = (rows0, rows1)
    si = (si0, si1)
    sg = (sg0, sg1)
    sl = pl.ds(sid * ROWS_PER_SUB, ROWS_PER_SUB)
    pltpu.sync_copy(zrow_hbm, agg_sh.at[sl])

    zero16 = jnp.zeros((16,), jnp.float32)

    @pl.loop(0, CHUNK)
    def _(i):
        ones_rows[i, :] = zero16

    pltpu.sync_copy(ones_rows.at[pl.ds(0, DROWS // NS)],
                    deg_sh.at[pl.ds(sid * (DROWS // NS), DROWS // NS)])

    plsc.subcore_barrier()

    base = wid * PER_W

    def _off(cc):
        return pl.multiple_of(base + cc * CHUNK, 8)

    def _issue_idx(cc, b):
        off = _off(cc)
        pltpu.async_copy(gidx_hbm.at[pl.ds(off, CHUNK)], gbuf[b], si[b])
        pltpu.async_copy(dst_hbm.at[pl.ds(off, CHUNK)], dbuf[b], si[b])

    def _wait_idx(b):
        pltpu.make_async_copy(gidx_hbm.at[pl.ds(0, CHUNK)], gbuf[b],
                              si[b]).wait()
        pltpu.make_async_copy(dst_hbm.at[pl.ds(0, CHUNK)], dbuf[b],
                              si[b]).wait()

    _issue_idx(0, 0)
    _issue_idx(1, 1)
    _wait_idx(0)
    pltpu.async_copy(ht_hbm.at[gbuf[0]], rows[0], sg[0])

    ones16 = jnp.ones((16,), jnp.float32)

    def _consume(b):
        pltpu.sync_copy(rows[b], agg_sh.at[dbuf[b]], add=True)
        for k in range(CHUNK // 16):
            dv = dbuf[b][pl.ds(k * 16, 16)]
            qbuf[pl.ds(k * 16, 16)] = lax.shift_right_logical(dv, 4)
            evec = lax.iota(jnp.int32, 16) + (k * 16)
            gvec = lax.bitwise_and(dv, 15)
            plsc.store_scatter(ones_rows, [evec, gvec], ones16)
        pltpu.sync_copy(ones_rows, deg_sh.at[qbuf], add=True)
        for k in range(CHUNK // 16):
            dv = dbuf[b][pl.ds(k * 16, 16)]
            evec = lax.iota(jnp.int32, 16) + (k * 16)
            gvec = lax.bitwise_and(dv, 15)
            plsc.store_scatter(ones_rows, [evec, gvec], zero16)

    @pl.loop(0, NCHUNK // 2)
    def _(i):
        for b in (0, 1):
            cc = i * 2 + b
            o = 1 - b

            @pl.when(cc + 1 < NCHUNK)
            def _():
                _wait_idx(o)
                pltpu.async_copy(ht_hbm.at[gbuf[o]], rows[o], sg[o])

            pltpu.make_async_copy(ht_hbm.at[gbuf[b]], rows[b], sg[b]).wait()
            _consume(b)

            @pl.when(cc + 2 < NCHUNK)
            def _():
                _issue_idx(cc + 2, b)

    plsc.subcore_barrier()
    pltpu.sync_copy(agg_sh.at[sl], agg_out.at[cid, sl])

    @pl.when(sid == 0)
    def _():
        pltpu.sync_copy(deg_sh, deg_out.at[cid])


def _sc_aggregate(ht, gidx, dst, zrow):
    mesh = plsc.VectorSubcoreMesh(core_axis_name="c", subcore_axis_name="s",
                                  num_cores=NC, num_subcores=NS)
    cp = pltpu.CompilerParams()
    if "needs_layout_passes" in pltpu.CompilerParams.__dataclass_fields__:
        cp = dataclasses.replace(cp, needs_layout_passes=False)
    k = pl.kernel(
        _sc_body,
        out_type=[
            jax.ShapeDtypeStruct((NC, NP, D), jnp.float32),
            jax.ShapeDtypeStruct((NC, DROWS, 16), jnp.float32),
        ],
        mesh=mesh,
        scratch_types=[
            pltpu.VMEM((CHUNK,), jnp.int32),
            pltpu.VMEM((CHUNK,), jnp.int32),
            pltpu.VMEM((CHUNK,), jnp.int32),
            pltpu.VMEM((CHUNK,), jnp.int32),
            pltpu.VMEM((CHUNK,), jnp.int32),
            pltpu.VMEM((CHUNK, D), jnp.float32),
            pltpu.VMEM((CHUNK, D), jnp.float32),
            pltpu.VMEM((CHUNK, 16), jnp.float32),
            pltpu.VMEM_SHARED((NP, D), jnp.float32),
            pltpu.VMEM_SHARED((DROWS, 16), jnp.float32),
            pltpu.SemaphoreType.DMA,
            pltpu.SemaphoreType.DMA,
            pltpu.SemaphoreType.DMA,
            pltpu.SemaphoreType.DMA,
        ],
        compiler_params=cp,
    )
    return k(ht, gidx, dst, zrow)



def _epi_body(agg_ref, scale_ref, h_ref, ws_ref, out_ref):
    agg = agg_ref[0] + agg_ref[1]
    hs = jnp.dot(h_ref[...], ws_ref[...], preferred_element_type=jnp.float32)
    out_ref[...] = jnp.maximum(agg * scale_ref[...] + hs, 0.0)


def _epilogue(agg, scale_b, h_pad, w_self):
    nb = NP // EBLK
    return pl.pallas_call(
        _epi_body,
        grid=(nb,),
        in_specs=[
            pl.BlockSpec((NC, EBLK, D), lambda i: (0, i, 0)),
            pl.BlockSpec((EBLK, D), lambda i: (i, 0)),
            pl.BlockSpec((EBLK, D), lambda i: (i, 0)),
            pl.BlockSpec((D, D), lambda i: (0, 0)),
        ],
        out_specs=pl.BlockSpec((EBLK, D), lambda i: (i, 0)),
        out_shape=jax.ShapeDtypeStruct((NP, D), jnp.float32),
    )(agg, scale_b, h_pad, w_self)



def kernel(edges, entity_embed, W_rel, W_self):
    src = edges[:, 0]
    rel = edges[:, 1]
    dst = edges[:, 2]
    gidx = jnp.concatenate([rel * N + src, (rel + R) * N + dst])
    dall = jnp.concatenate([dst, src])

    ht = _ht_table(entity_embed, W_rel)
    zrow = jnp.zeros((ROWS_PER_SUB, D), jnp.float32)
    aggs, degs = _sc_aggregate(ht, gidx, dall, zrow)

    deg = (degs[0] + degs[1]).reshape(NP)
    scale = 1.0 / jnp.clip(deg, 1.0, None)
    scale_b = jnp.broadcast_to(scale[:, None], (NP, D))
    h_pad = jnp.pad(entity_embed, ((0, NP - N), (0, 0)))
    out = _epilogue(aggs, scale_b, h_pad, W_self)
    return out[:N]

# --- scband reference (transcript-rebuilt; emitter-appended) ---
"""Pipeline reference for scband-rgcnbase-64854006169651 (READ-ONLY COPY).

The authoritative reference and input builder live on the scoring server;
editing this copy changes nothing except your own understanding.
"""

import jax, jax.numpy as jnp
import numpy as np

N_NODES = 10000
N_REL = 8          # num_relation; expanded to 2*N_REL with inverse=True
D_IN = 128
D_OUT = 128
N_EDGES = 320000


def setup_inputs(seed: int = 0) -> dict:
    key = jax.random.key(seed)
    k1, k2, k3, k4, k5, k6 = jax.random.split(key, 6)
    src = jax.random.randint(k1, (N_EDGES,), 0, N_NODES, dtype=jnp.int32)
    rel = jax.random.randint(k2, (N_EDGES,), 0, N_REL, dtype=jnp.int32)
    dst = jax.random.randint(k3, (N_EDGES,), 0, N_NODES, dtype=jnp.int32)
    edges = jnp.stack([src, rel, dst], axis=1)  # [E, 3] (head, relation, tail)
    # learned parameters (per init_kwargs: dims=[128,128] -> 1 RGCN layer,
    # num_rela_expand = 2*num_relation = 16, plus self-loop weight; entity embedding table)
    entity_embed = jax.random.normal(k4, (N_NODES, D_IN), dtype=jnp.float32) * 0.05
    W_rel = jax.random.normal(k5, (2 * N_REL, D_IN, D_OUT), dtype=jnp.float32) * (1.0 / np.sqrt(D_IN))
    W_self = jax.random.normal(k6, (D_IN, D_OUT), dtype=jnp.float32) * (1.0 / np.sqrt(D_IN))
    return {"edges": edges, "entity_embed": entity_embed, "W_rel": W_rel, "W_self": W_self}


def reference(edges, entity_embed, W_rel, W_self):
    # RGCNBase.forward(edges, h_input=None): h_input <- entity_embed.weight,
    # then for each layer: h <- relu(RGCNLayer(h, edges)).
    # RGCNLayer (standard Schlichtkrull RGCN, full weight matrices since use_basis=use_block=False):
    #   out[v] = sum_{(u,r,v) in expanded edges} (1/c_v) * h[u] @ W_rel[r]  +  h[v] @ W_self
    # inverse=True expands each (s, r, o) with (o, r + num_relation, s).
    src = edges[:, 0]
    rel = edges[:, 1]
    dst = edges[:, 2]
    src_all = jnp.concatenate([src, dst])
    rel_all = jnp.concatenate([rel, rel + N_REL])
    dst_all = jnp.concatenate([dst, src])

    h = entity_embed
    # transform-then-gather (equivalent to per-edge h[src] @ W_rel[rel]):
    ht = jnp.einsum('nd,rde->rne', h, W_rel)          # [2R, N, D_OUT]
    msgs = ht[rel_all, src_all]                        # gather: [2E, D_OUT]
    deg = jax.ops.segment_sum(jnp.ones_like(dst_all, dtype=h.dtype), dst_all,
                              num_segments=N_NODES)    # in-degree normalization c_v
    agg = jax.ops.segment_sum(msgs, dst_all, num_segments=N_NODES)  # scatter-add: [N, D_OUT]
    out = agg / jnp.clip(deg, 1.0, None)[:, None] + h @ W_self
    return jax.nn.relu(out)

if __name__ == "__main__":
    import jax
    _d = setup_inputs()
    print(jax.jit(kernel)(*tuple(_d.values())))

</pallas_src>

<mosaic_0001>
#map = affine_map<(d0, d1) -> (0, 0)>
#map1 = affine_map<(d0, d1) -> (0)>
#map2 = affine_map<(d0, d1) -> (0, 0, 0)>
module attributes {stable_mosaic.version = 14 : i64} {
  func.func @_sc_body(%arg0: i32, %arg1: i32, %arg2: memref<160000x128xf32, #tpu.memory_space<hbm>>, %arg3: memref<640000xi32, #tpu.memory_space<hbm>>, %arg4: memref<640000xi32, #tpu.memory_space<hbm>>, %arg5: memref<640x128xf32, #tpu.memory_space<hbm>>, %arg6: memref<2x10240x128xf32, #tpu.memory_space<hbm>>, %arg7: memref<2x640x16xf32, #tpu.memory_space<hbm>>, %arg8: memref<80xi32, #tpu.memory_space<vmem>>, %arg9: memref<80xi32, #tpu.memory_space<vmem>>, %arg10: memref<80xi32, #tpu.memory_space<vmem>>, %arg11: memref<80xi32, #tpu.memory_space<vmem>>, %arg12: memref<80xi32, #tpu.memory_space<vmem>>, %arg13: memref<80x128xf32, #tpu.memory_space<vmem>>, %arg14: memref<80x128xf32, #tpu.memory_space<vmem>>, %arg15: memref<80x16xf32, #tpu.memory_space<vmem>>, %arg16: memref<10240x128xf32, #tpu.memory_space<vmem_shared>>, %arg17: memref<640x16xf32, #tpu.memory_space<vmem_shared>>, %arg18: memref<!tpu.dma_semaphore, #tpu.memory_space<semaphore_mem>>, %arg19: memref<!tpu.dma_semaphore, #tpu.memory_space<semaphore_mem>>, %arg20: memref<!tpu.dma_semaphore, #tpu.memory_space<semaphore_mem>>, %arg21: memref<!tpu.dma_semaphore, #tpu.memory_space<semaphore_mem>>) attributes {dimension_semantics = [#tpu.dimension_semantics<core_parallel>, #tpu.dimension_semantics<subcore_parallel>], iteration_bounds = array<i64: 2, 16>, scalar_prefetch = 0 : i64, scratch_operands = 14 : i64, tpu.core_type = #tpu.core_type<sc_vector_subcore>, window_params = [{transform_indices = #map}, {transform_indices = #map1}, {transform_indices = #map1}, {transform_indices = #map}, {transform_indices = #map2}, {transform_indices = #map2}]} {
    %mul3A = arith.constant 2 : i32
    %mul3A_0 = arith.muli %arg1, %mul3A : i32
    %add3A = arith.addi %mul3A_0, %arg0 : i32
    %mul3A_1 = arith.constant 640 : i32
    %mul3A_2 = arith.muli %arg1, %mul3A_1 : i32
    "tpu.region"() ({
      %run_scoped3A = tpu.sem_alloc : memref<!tpu.dma_semaphore, #tpu.memory_space<semaphore_mem>>
      %dma_start3A_44 = arith.constant 0 : i32
      %dma_start3A_45 = tpu.memref_slice %arg16[%mul3A_2, %dma_start3A_44] : memref<10240x128xf32, #tpu.memory_space<vmem_shared>> -> memref<640x128xf32, #tpu.memory_space<vmem_shared>>
      tpu.enqueue_dma source(%arg5 : memref<640x128xf32, #tpu.memory_space<hbm>>) target(%dma_start3A_45 : memref<640x128xf32, #tpu.memory_space<vmem_shared>>) target_semaphore(%run_scoped3A : memref<!tpu.dma_semaphore, #tpu.memory_space<semaphore_mem>>)
      %dma_wait3A_46 = arith.constant 0 : i32
      %dma_wait3A_47 = tpu.memref_slice %arg16[%mul3A_2, %dma_wait3A_46] : memref<10240x128xf32, #tpu.memory_space<vmem_shared>> -> memref<640x128xf32, #tpu.memory_space<vmem_shared>>
      tpu.wait_dma2 semaphore(%run_scoped3A : memref<!tpu.dma_semaphore, #tpu.memory_space<semaphore_mem>>) src(%arg5 : memref<640x128xf32, #tpu.memory_space<hbm>>) dst(%dma_wait3A_47 : memref<640x128xf32, #tpu.memory_space<vmem_shared>>)
      tpu.yield
    }) : () -> ()
    %broadcast_in_dim3A = arith.constant 0.000000e+00 : f32
    %broadcast_in_dim3A_3 = vector.broadcast %broadcast_in_dim3A : f32 to vector<16xf32>
    %scan3A = arith.constant 0 : i32
    %scan3A_4 = arith.constant 80 : i32
    %scan3A_5 = arith.addi %scan3A, %scan3A_4 : i32
    %scan3A_6 = arith.constant 1 : i32
    scf.for %scan3A_44 = %scan3A to %scan3A_5 step %scan3A_6  : i32 {
      %mul3A_45 = arith.constant 1 : i32
      %mul3A_46 = arith.muli %scan3A_44, %mul3A_45 : i32
      %add3A_47 = arith.constant 0 : i32
      %add3A_48 = arith.addi %add3A_47, %mul3A_46 : i32
      %swap3A = arith.index_cast %add3A_48 : i32 to index
      %swap3A_49 = arith.constant 0 : index
      %swap3A_50 = tpu.vector_load %arg15[%swap3A, %swap3A_49] {strides = array<i32>} : memref<80x16xf32, #tpu.memory_space<vmem>>, vector<16xf32>,
      tpu.vector_store %arg15[%swap3A, %swap3A_49], %broadcast_in_dim3A_3 {strides = array<i32>} : memref<80x16xf32, #tpu.memory_space<vmem>>, vector<16xf32>,
    }
    %scan3A_7 = arith.constant 80 : i32
    %mul3A_8 = arith.constant 40 : i32
    %mul3A_9 = arith.muli %arg1, %mul3A_8 : i32
    "tpu.region"() ({
      %run_scoped3A = tpu.sem_alloc : memref<!tpu.dma_semaphore, #tpu.memory_space<semaphore_mem>>
      %dma_start3A_44 = arith.constant 0 : i32
      %dma_start3A_45 = arith.constant 0 : i32
      %dma_start3A_46 = tpu.memref_slice %arg15[%dma_start3A_44, %dma_start3A_45] : memref<80x16xf32, #tpu.memory_space<vmem>> -> memref<40x16xf32, #tpu.memory_space<vmem>>
      %dma_start3A_47 = arith.constant 0 : i32
      %dma_start3A_48 = tpu.memref_slice %arg17[%mul3A_9, %dma_start3A_47] : memref<640x16xf32, #tpu.memory_space<vmem_shared>> -> memref<40x16xf32, #tpu.memory_space<vmem_shared>>
      %dma_start3A_49 = arith.constant 0 : i32
      %dma_start3A_50 = tpu.memref_slice %arg17[%mul3A_9, %dma_start3A_49] : memref<640x16xf32, #tpu.memory_space<vmem_shared>> -> memref<40x16xf32, #tpu.memory_space<vmem_shared>>
      %dma_start3A_51 = arith.constant 0 : i32
      %dma_start3A_52 = arith.constant 0 : i32
      %dma_start3A_53 = tpu.memref_slice %arg15[%dma_start3A_51, %dma_start3A_52] : memref<80x16xf32, #tpu.memory_space<vmem>> -> memref<40x16xf32, #tpu.memory_space<vmem>>
      tpu.enqueue_dma source(%dma_start3A_53 : memref<40x16xf32, #tpu.memory_space<vmem>>) target(%dma_start3A_50 : memref<40x16xf32, #tpu.memory_space<vmem_shared>>) target_semaphore(%run_scoped3A : memref<!tpu.dma_semaphore, #tpu.memory_space<semaphore_mem>>)
      %dma_wait3A_54 = arith.constant 0 : i32
      %dma_wait3A_55 = arith.constant 0 : i32
      %dma_wait3A_56 = tpu.memref_slice %arg15[%dma_wait3A_54, %dma_wait3A_55] : memref<80x16xf32, #tpu.memory_space<vmem>> -> memref<40x16xf32, #tpu.memory_space<vmem>>
      %dma_wait3A_57 = arith.constant 0 : i32
      %dma_wait3A_58 = tpu.memref_slice %arg17[%mul3A_9, %dma_wait3A_57] : memref<640x16xf32, #tpu.memory_space<vmem_shared>> -> memref<40x16xf32, #tpu.memory_space<vmem_shared>>
      %dma_wait3A_59 = arith.constant 0 : i32
      %dma_wait3A_60 = tpu.memref_slice %arg17[%mul3A_9, %dma_wait3A_59] : memref<640x16xf32, #tpu.memory_space<vmem_shared>> -> memref<40x16xf32, #tpu.memory_space<vmem_shared>>
      %dma_wait3A_61 = arith.constant 0 : i32
      %dma_wait3A_62 = arith.constant 0 : i32
      %dma_wait3A_63 = tpu.memref_slice %arg15[%dma_wait3A_61, %dma_wait3A_62] : memref<80x16xf32, #tpu.memory_space<vmem>> -> memref<40x16xf32, #tpu.memory_space<vmem>>
      tpu.wait_dma2 semaphore(%run_scoped3A : memref<!tpu.dma_semaphore, #tpu.memory_space<semaphore_mem>>) src(%dma_wait3A_63 : memref<40x16xf32, #tpu.memory_space<vmem>>) dst(%dma_wait3A_60 : memref<40x16xf32, #tpu.memory_space<vmem_shared>>)
      tpu.yield
    }) : () -> ()
    %barrier3A = arith.constant 0 : index
    tpu.barrier barrier_id(%barrier3A)
    %mul3A_10 = arith.constant 20000 : i32
    %mul3A_11 = arith.muli %add3A, %mul3A_10 : i32
    %add3A_12 = arith.constant 0 : i32
    %add3A_13 = arith.addi %mul3A_11, %add3A_12 : i32
    %multiple_of3A = tpu.assume_multiple %add3A_13, 8 : i32
    %dma_start3A = tpu.memref_slice %arg3[%multiple_of3A] : memref<640000xi32, #tpu.memory_space<hbm>> -> memref<80xi32, #tpu.memory_space<hbm>>
    %dma_start3A_14 = tpu.memref_slice %arg3[%multiple_of3A] : memref<640000xi32, #tpu.memory_space<hbm>> -> memref<80xi32, #tpu.memory_space<hbm>>
    tpu.enqueue_dma source(%dma_start3A_14 : memref<80xi32, #tpu.memory_space<hbm>>) target(%arg8 : memref<80xi32, #tpu.memory_space<vmem>>) target_semaphore(%arg18 : memref<!tpu.dma_semaphore, #tpu.memory_space<semaphore_mem>>)
    %dma_start3A_15 = tpu.memref_slice %arg4[%multiple_of3A] : memref<640000xi32, #tpu.memory_space<hbm>> -> memref<80xi32, #tpu.memory_space<hbm>>
    %dma_start3A_16 = tpu.memref_slice %arg4[%multiple_of3A] : memref<640000xi32, #tpu.memory_space<hbm>> -> memref<80xi32, #tpu.memory_space<hbm>>
    tpu.enqueue_dma source(%dma_start3A_16 : memref<80xi32, #tpu.memory_space<hbm>>) target(%arg10 : memref<80xi32, #tpu.memory_space<vmem>>) target_semaphore(%arg18 : memref<!tpu.dma_semaphore, #tpu.memory_space<semaphore_mem>>)
    %add3A_17 = arith.constant 80 : i32
    %add3A_18 = arith.addi %mul3A_11, %add3A_17 : i32
    %multiple_of3A_19 = tpu.assume_multiple %add3A_18, 8 : i32
    %dma_start3A_20 = tpu.memref_slice %arg3[%multiple_of3A_19] : memref<640000xi32, #tpu.memory_space<hbm>> -> memref<80xi32, #tpu.memory_space<hbm>>
    %dma_start3A_21 = tpu.memref_slice %arg3[%multiple_of3A_19] : memref<640000xi32, #tpu.memory_space<hbm>> -> memref<80xi32, #tpu.memory_space<hbm>>
    tpu.enqueue_dma source(%dma_start3A_21 : memref<80xi32, #tpu.memory_space<hbm>>) target(%arg9 : memref<80xi32, #tpu.memory_space<vmem>>) target_semaphore(%arg19 : memref<!tpu.dma_semaphore, #tpu.memory_space<semaphore_mem>>)
    %dma_start3A_22 = tpu.memref_slice %arg4[%multiple_of3A_19] : memref<640000xi32, #tpu.memory_space<hbm>> -> memref<80xi32, #tpu.memory_space<hbm>>
    %dma_start3A_23 = tpu.memref_slice %arg4[%multiple_of3A_19] : memref<640000xi32, #tpu.memory_space<hbm>> -> memref<80xi32, #tpu.memory_space<hbm>>
    tpu.enqueue_dma source(%dma_start3A_23 : memref<80xi32, #tpu.memory_space<hbm>>) target(%arg11 : memref<80xi32, #tpu.memory_space<vmem>>) target_semaphore(%arg19 : memref<!tpu.dma_semaphore, #tpu.memory_space<semaphore_mem>>)
    %dma_wait3A = arith.constant 0 : i32
    %dma_wait3A_24 = tpu.memref_slice %arg3[%dma_wait3A] : memref<640000xi32, #tpu.memory_space<hbm>> -> memref<80xi32, #tpu.memory_space<hbm>>
    %dma_wait3A_25 = arith.constant 0 : i32
    %dma_wait3A_26 = tpu.memref_slice %arg3[%dma_wait3A_25] : memref<640000xi32, #tpu.memory_space<hbm>> -> memref<80xi32, #tpu.memory_space<hbm>>
    tpu.wait_dma2 semaphore(%arg18 : memref<!tpu.dma_semaphore, #tpu.memory_space<semaphore_mem>>) src(%dma_wait3A_26 : memref<80xi32, #tpu.memory_space<hbm>>) dst(%arg8 : memref<80xi32, #tpu.memory_space<vmem>>)
    %dma_wait3A_27 = arith.constant 0 : i32
    %dma_wait3A_28 = tpu.memref_slice %arg4[%dma_wait3A_27] : memref<640000xi32, #tpu.memory_space<hbm>> -> memref<80xi32, #tpu.memory_space<hbm>>
    %dma_wait3A_29 = arith.constant 0 : i32
    %dma_wait3A_30 = tpu.memref_slice %arg4[%dma_wait3A_29] : memref<640000xi32, #tpu.memory_space<hbm>> -> memref<80xi32, #tpu.memory_space<hbm>>
    tpu.wait_dma2 semaphore(%arg18 : memref<!tpu.dma_semaphore, #tpu.memory_space<semaphore_mem>>) src(%dma_wait3A_30 : memref<80xi32, #tpu.memory_space<hbm>>) dst(%arg10 : memref<80xi32, #tpu.memory_space<vmem>>)
    %dma_start3A_31 = arith.constant 0 : i32
    %dma_start3A_32 = arith.constant 0 : i32
    %dma_start3A_33 = tpu.memref_slice %arg2[%dma_start3A_31, %dma_start3A_32] : memref<160000x128xf32, #tpu.memory_space<hbm>> -> memref<160000x128xf32, #tpu.memory_space<hbm>>
    tpu.enqueue_indirect_dma source(%dma_start3A_33 : memref<160000x128xf32, #tpu.memory_space<hbm>>) target(%arg13 : memref<80x128xf32, #tpu.memory_space<vmem>>) offsets(%arg8 : memref<80xi32, #tpu.memory_space<vmem>>) semaphore(%arg20 : memref<!tpu.dma_semaphore, #tpu.memory_space<semaphore_mem>>)
    %broadcast_in_dim3A_34 = arith.constant 1.000000e+00 : f32
    %broadcast_in_dim3A_35 = vector.broadcast %broadcast_in_dim3A_34 : f32 to vector<16xf32>
    %scan3A_36 = arith.constant 0 : i32
    %scan3A_37 = arith.constant 125 : i32
    %scan3A_38 = arith.addi %scan3A_36, %scan3A_37 : i32
    %scan3A_39 = arith.constant 1 : i32
    scf.for %scan3A_44 = %scan3A_36 to %scan3A_38 step %scan3A_39  : i32 {
      %mul3A_45 = arith.constant 1 : i32
      %mul3A_46 = arith.muli %scan3A_44, %mul3A_45 : i32
      %add3A_47 = arith.constant 0 : i32
      %add3A_48 = arith.addi %add3A_47, %mul3A_46 : i32
      %mul3A_49 = arith.constant 2 : i32
      %mul3A_50 = arith.muli %add3A_48, %mul3A_49 : i32
      %add3A_51 = arith.constant 0 : i32
      %add3A_52 = arith.addi %mul3A_50, %add3A_51 : i32
      %add3A_53 = arith.constant 1 : i32
      %add3A_54 = arith.addi %add3A_52, %add3A_53 : i32
      %lt3A = arith.constant 250 : i32
      %lt3A_55 = arith.cmpi slt, %add3A_54, %lt3A : i32
      %convert_element_type3A_56 = arith.extui %lt3A_55 : i1 to i32
      %cond3A_57 = arith.constant 0 : i32
      %cond3A_58 = arith.cmpi ne, %convert_element_type3A_56, %cond3A_57 : i32
      scf.if %cond3A_58 {
        %dma_wait3A_315 = arith.constant 0 : i32
        %dma_wait3A_316 = tpu.memref_slice %arg3[%dma_wait3A_315] : memref<640000xi32, #tpu.memory_space<hbm>> -> memref<80xi32, #tpu.memory_space<hbm>>
        %dma_wait3A_317 = arith.constant 0 : i32
        %dma_wait3A_318 = tpu.memref_slice %arg3[%dma_wait3A_317] : memref<640000xi32, #tpu.memory_space<hbm>> -> memref<80xi32, #tpu.memory_space<hbm>>
        tpu.wait_dma2 semaphore(%arg19 : memref<!tpu.dma_semaphore, #tpu.memory_space<semaphore_mem>>) src(%dma_wait3A_318 : memref<80xi32, #tpu.memory_space<hbm>>) dst(%arg9 : memref<80xi32, #tpu.memory_space<vmem>>)
        %dma_wait3A_319 = arith.constant 0 : i32
        %dma_wait3A_320 = tpu.memref_slice %arg4[%dma_wait3A_319] : memref<640000xi32, #tpu.memory_space<hbm>> -> memref<80xi32, #tpu.memory_space<hbm>>
        %dma_wait3A_321 = arith.constant 0 : i32
        %dma_wait3A_322 = tpu.memref_slice %arg4[%dma_wait3A_321] : memref<640000xi32, #tpu.memory_space<hbm>> -> memref<80xi32, #tpu.memory_space<hbm>>
        tpu.wait_dma2 semaphore(%arg19 : memref<!tpu.dma_semaphore, #tpu.memory_space<semaphore_mem>>) src(%dma_wait3A_322 : memref<80xi32, #tpu.memory_space<hbm>>) dst(%arg11 : memref<80xi32, #tpu.memory_space<vmem>>)
        %dma_start3A_323 = arith.constant 0 : i32
        %dma_start3A_324 = arith.constant 0 : i32
        %dma_start3A_325 = tpu.memref_slice %arg2[%dma_start3A_323, %dma_start3A_324] : memref<160000x128xf32, #tpu.memory_space<hbm>> -> memref<160000x128xf32, #tpu.memory_space<hbm>>
        tpu.enqueue_indirect_dma source(%dma_start3A_325 : memref<160000x128xf32, #tpu.memory_space<hbm>>) target(%arg14 : memref<80x128xf32, #tpu.memory_space<vmem>>) offsets(%arg9 : memref<80xi32, #tpu.memory_space<vmem>>) semaphore(%arg21 : memref<!tpu.dma_semaphore, #tpu.memory_space<semaphore_mem>>)
      } else {
      }
      %dma_wait3A_59 = arith.constant 0 : i32
      %dma_wait3A_60 = arith.constant 0 : i32
      %dma_wait3A_61 = tpu.memref_slice %arg2[%dma_wait3A_59, %dma_wait3A_60] : memref<160000x128xf32, #tpu.memory_space<hbm>> -> memref<160000x128xf32, #tpu.memory_space<hbm>>
      tpu.wait_indirect_dma semaphore(%arg20 : memref<!tpu.dma_semaphore, #tpu.memory_space<semaphore_mem>>) src(%dma_wait3A_61 : memref<160000x128xf32, #tpu.memory_space<hbm>>) dst(%arg13 : memref<80x128xf32, #tpu.memory_space<vmem>>)
      "tpu.region"() ({
        %run_scoped3A = tpu.sem_alloc : memref<!tpu.dma_semaphore, #tpu.memory_space<semaphore_mem>>
        %dma_start3A_315 = arith.constant 0 : i32
        %dma_start3A_316 = arith.constant 0 : i32
        %dma_start3A_317 = tpu.memref_slice %arg16[%dma_start3A_315, %dma_start3A_316] : memref<10240x128xf32, #tpu.memory_space<vmem_shared>> -> memref<10240x128xf32, #tpu.memory_space<vmem_shared>>
        tpu.enqueue_indirect_dma source(%arg13 : memref<80x128xf32, #tpu.memory_space<vmem>>) target(%dma_start3A_317 : memref<10240x128xf32, #tpu.memory_space<vmem_shared>>) offsets(%arg10 : memref<80xi32, #tpu.memory_space<vmem>>) semaphore(%run_scoped3A : memref<!tpu.dma_semaphore, #tpu.memory_space<semaphore_mem>>) {add = true}
        %dma_wait3A_318 = arith.constant 0 : i32
        %dma_wait3A_319 = arith.constant 0 : i32
        %dma_wait3A_320 = tpu.memref_slice %arg16[%dma_wait3A_318, %dma_wait3A_319] : memref<10240x128xf32, #tpu.memory_space<vmem_shared>> -> memref<10240x128xf32, #tpu.memory_space<vmem_shared>>
        tpu.wait_indirect_dma semaphore(%run_scoped3A : memref<!tpu.dma_semaphore, #tpu.memory_space<semaphore_mem>>) src(%arg13 : memref<80x128xf32, #tpu.memory_space<vmem>>) dst(%dma_wait3A_320 : memref<10240x128xf32, #tpu.memory_space<vmem_shared>>)
        tpu.yield
      }) : () -> ()
      %get3A = arith.constant 0 : index
      %get3A_62 = tpu.vector_load %arg10[%get3A] {strides = array<i32>} : memref<80xi32, #tpu.memory_space<vmem>>, vector<16xi32>,
      %shift_right_logical3A = arith.constant 4 : i32
      %shift_right_logical3A_63 = vector.broadcast %shift_right_logical3A : i32 to vector<16xi32>
      %shift_right_logical3A_64 = arith.shrui %get3A_62, %shift_right_logical3A_63 : vector<16xi32>
      %swap3A = arith.constant 0 : index
      %swap3A_65 = tpu.vector_load %arg12[%swap3A] {strides = array<i32>} : memref<80xi32, #tpu.memory_space<vmem>>, vector<16xi32>,
      tpu.vector_store %arg12[%swap3A], %shift_right_logical3A_64 {strides = array<i32>} : memref<80xi32, #tpu.memory_space<vmem>>, vector<16xi32>,
      %iota3A = tpu.iota {dimensions = array<i32: 0>} : vector<16xi32>
      %add3A_66 = arith.constant 0 : i32
      %add3A_67 = vector.broadcast %add3A_66 : i32 to vector<16xi32>
      %add3A_68 = arith.addi %iota3A, %add3A_67 : vector<16xi32>
      %and3A = arith.constant 15 : i32
      %and3A_69 = vector.broadcast %and3A : i32 to vector<16xi32>
      %and3A_70 = arith.andi %get3A_62, %and3A_69 : vector<16xi32>
      tpu.vector_store_idx %arg15[%add3A_68, %and3A_70], %broadcast_in_dim3A_35 : memref<80x16xf32, #tpu.memory_space<vmem>>[vector<16xi32>, vector<16xi32>], vector<16xf32>,
      %get3A_71 = arith.constant 16 : index
      %get3A_72 = tpu.vector_load %arg10[%get3A_71] {strides = array<i32>} : memref<80xi32, #tpu.memory_space<vmem>>, vector<16xi32>,
      %shift_right_logical3A_73 = arith.constant 4 : i32
      %shift_right_logical3A_74 = vector.broadcast %shift_right_logical3A_73 : i32 to vector<16xi32>
      %shift_right_logical3A_75 = arith.shrui %get3A_72, %shift_right_logical3A_74 : vector<16xi32>
      %swap3A_76 = arith.constant 16 : index
      %swap3A_77 = tpu.vector_load %arg12[%swap3A_76] {strides = array<i32>} : memref<80xi32, #tpu.memory_space<vmem>>, vector<16xi32>,
      tpu.vector_store %arg12[%swap3A_76], %shift_right_logical3A_75 {strides = array<i32>} : memref<80xi32, #tpu.memory_space<vmem>>, vector<16xi32>,
      %iota3A_78 = tpu.iota {dimensions = array<i32: 0>} : vector<16xi32>
      %add3A_79 = arith.constant 16 : i32
      %add3A_80 = vector.broadcast %add3A_79 : i32 to vector<16xi32>
      %add3A_81 = arith.addi %iota3A_78, %add3A_80 : vector<16xi32>
      %and3A_82 = arith.constant 15 : i32
      %and3A_83 = vector.broadcast %and3A_82 : i32 to vector<16xi32>
      %and3A_84 = arith.andi %get3A_72, %and3A_83 : vector<16xi32>
      tpu.vector_store_idx %arg15[%add3A_81, %and3A_84], %broadcast_in_dim3A_35 : memref<80x16xf32, #tpu.memory_space<vmem>>[vector<16xi32>, vector<16xi32>], vector<16xf32>,
      %get3A_85 = arith.constant 32 : index
      %get3A_86 = tpu.vector_load %arg10[%get3A_85] {strides = array<i32>} : memref<80xi32, #tpu.memory_space<vmem>>, vector<16xi32>,
      %shift_right_logical3A_87 = arith.constant 4 : i32
      %shift_right_logical3A_88 = vector.broadcast %shift_right_logical3A_87 : i32 to vector<16xi32>
      %shift_right_logical3A_89 = arith.shrui %get3A_86, %shift_right_logical3A_88 : vector<16xi32>
      %swap3A_90 = arith.constant 32 : index
      %swap3A_91 = tpu.vector_load %arg12[%swap3A_90] {strides = array<i32>} : memref<80xi32, #tpu.memory_space<vmem>>, vector<16xi32>,
      tpu.vector_store %arg12[%swap3A_90], %shift_right_logical3A_89 {strides = array<i32>} : memref<80xi32, #tpu.memory_space<vmem>>, vector<16xi32>,
      %iota3A_92 = tpu.iota {dimensions = array<i32: 0>} : vector<16xi32>
      %add3A_93 = arith.constant 32 : i32
      %add3A_94 = vector.broadcast %add3A_93 : i32 to vector<16xi32>
      %add3A_95 = arith.addi %iota3A_92, %add3A_94 : vector<16xi32>
      %and3A_96 = arith.constant 15 : i32
      %and3A_97 = vector.broadcast %and3A_96 : i32 to vector<16xi32>
      %and3A_98 = arith.andi %get3A_86, %and3A_97 : vector<16xi32>
      tpu.vector_store_idx %arg15[%add3A_95, %and3A_98], %broadcast_in_dim3A_35 : memref<80x16xf32, #tpu.memory_space<vmem>>[vector<16xi32>, vector<16xi32>], vector<16xf32>,
      %get3A_99 = arith.constant 48 : index
      %get3A_100 = tpu.vector_load %arg10[%get3A_99] {strides = array<i32>} : memref<80xi32, #tpu.memory_space<vmem>>, vector<16xi32>,
      %shift_right_logical3A_101 = arith.constant 4 : i32
      %shift_right_logical3A_102 = vector.broadcast %shift_right_logical3A_101 : i32 to vector<16xi32>
      %shift_right_logical3A_103 = arith.shrui %get3A_100, %shift_right_logical3A_102 : vector<16xi32>
      %swap3A_104 = arith.constant 48 : index
      %swap3A_105 = tpu.vector_load %arg12[%swap3A_104] {strides = array<i32>} : memref<80xi32, #tpu.memory_space<vmem>>, vector<16xi32>,
      tpu.vector_store %arg12[%swap3A_104], %shift_right_logical3A_103 {strides = array<i32>} : memref<80xi32, #tpu.memory_space<vmem>>, vector<16xi32>,
      %iota3A_106 = tpu.iota {dimensions = array<i32: 0>} : vector<16xi32>
      %add3A_107 = arith.constant 48 : i32
      %add3A_108 = vector.broadcast %add3A_107 : i32 to vector<16xi32>
      %add3A_109 = arith.addi %iota3A_106, %add3A_108 : vector<16xi32>
      %and3A_110 = arith.constant 15 : i32
      %and3A_111 = vector.broadcast %and3A_110 : i32 to vector<16xi32>
      %and3A_112 = arith.andi %get3A_100, %and3A_111 : vector<16xi32>
      tpu.vector_store_idx %arg15[%add3A_109, %and3A_112], %broadcast_in_dim3A_35 : memref<80x16xf32, #tpu.memory_space<vmem>>[vector<16xi32>, vector<16xi32>], vector<16xf32>,
      %get3A_113 = arith.constant 64 : index
      %get3A_114 = tpu.vector_load %arg10[%get3A_113] {strides = array<i32>} : memref<80xi32, #tpu.memory_space<vmem>>, vector<16xi32>,
      %shift_right_logical3A_115 = arith.constant 4 : i32
      %shift_right_logical3A_116 = vector.broadcast %shift_right_logical3A_115 : i32 to vector<16xi32>
      %shift_right_logical3A_117 = arith.shrui %get3A_114, %shift_right_logical3A_116 : vector<16xi32>
      %swap3A_118 = arith.constant 64 : index
      %swap3A_119 = tpu.vector_load %arg12[%swap3A_118] {strides = array<i32>} : memref<80xi32, #tpu.memory_space<vmem>>, vector<16xi32>,
      tpu.vector_store %arg12[%swap3A_118], %shift_right_logical3A_117 {strides = array<i32>} : memref<80xi32, #tpu.memory_space<vmem>>, vector<16xi32>,
      %iota3A_120 = tpu.iota {dimensions = array<i32: 0>} : vector<16xi32>
      %add3A_121 = arith.constant 64 : i32
      %add3A_122 = vector.broadcast %add3A_121 : i32 to vector<16xi32>
      %add3A_123 = arith.addi %iota3A_120, %add3A_122 : vector<16xi32>
      %and3A_124 = arith.constant 15 : i32
      %and3A_125 = vector.broadcast %and3A_124 : i32 to vector<16xi32>
      %and3A_126 = arith.andi %get3A_114, %and3A_125 : vector<16xi32>
      tpu.vector_store_idx %arg15[%add3A_123, %and3A_126], %broadcast_in_dim3A_35 : memref<80x16xf32, #tpu.memory_space<vmem>>[vector<16xi32>, vector<16xi32>], vector<16xf32>,
      "tpu.region"() ({
        %run_scoped3A = tpu.sem_alloc : memref<!tpu.dma_semaphore, #tpu.memory_space<semaphore_mem>>
        %dma_start3A_315 = arith.constant 0 : i32
        %dma_start3A_316 = arith.constant 0 : i32
        %dma_start3A_317 = tpu.memref_slice %arg17[%dma_start3A_315, %dma_start3A_316] : memref<640x16xf32, #tpu.memory_space<vmem_shared>> -> memref<640x16xf32, #tpu.memory_space<vmem_shared>>
        tpu.enqueue_indirect_dma source(%arg15 : memref<80x16xf32, #tpu.memory_space<vmem>>) target(%dma_start3A_317 : memref<640x16xf32, #tpu.memory_space<vmem_shared>>) offsets(%arg12 : memref<80xi32, #tpu.memory_space<vmem>>) semaphore(%run_scoped3A : memref<!tpu.dma_semaphore, #tpu.memory_space<semaphore_mem>>) {add = true}
        %dma_wait3A_318 = arith.constant 0 : i32
        %dma_wait3A_319 = arith.constant 0 : i32
        %dma_wait3A_320 = tpu.memref_slice %arg17[%dma_wait3A_318, %dma_wait3A_319] : memref<640x16xf32, #tpu.memory_space<vmem_shared>> -> memref<640x16xf32, #tpu.memory_space<vmem_shared>>
        tpu.wait_indirect_dma semaphore(%run_scoped3A : memref<!tpu.dma_semaphore, #tpu.memory_space<semaphore_mem>>) src(%arg15 : memref<80x16xf32, #tpu.memory_space<vmem>>) dst(%dma_wait3A_320 : memref<640x16xf32, #tpu.memory_space<vmem_shared>>)
        tpu.yield
      }) : () -> ()
      %get3A_127 = arith.constant 0 : index
      %get3A_128 = tpu.vector_load %arg10[%get3A_127] {strides = array<i32>} : memref<80xi32, #tpu.memory_space<vmem>>, vector<16xi32>,
      %iota3A_129 = tpu.iota {dimensions = array<i32: 0>} : vector<16xi32>
      %add3A_130 = arith.constant 0 : i32
      %add3A_131 = vector.broadcast %add3A_130 : i32 to vector<16xi32>
      %add3A_132 = arith.addi %iota3A_129, %add3A_131 : vector<16xi32>
      %and3A_133 = arith.constant 15 : i32
      %and3A_134 = vector.broadcast %and3A_133 : i32 to vector<16xi32>
      %and3A_135 = arith.andi %get3A_128, %and3A_134 : vector<16xi32>
      tpu.vector_store_idx %arg15[%add3A_132, %and3A_135], %broadcast_in_dim3A_3 : memref<80x16xf32, #tpu.memory_space<vmem>>[vector<16xi32>, vector<16xi32>], vector<16xf32>,
      %get3A_136 = arith.constant 16 : index
      %get3A_137 = tpu.vector_load %arg10[%get3A_136] {strides = array<i32>} : memref<80xi32, #tpu.memory_space<vmem>>, vector<16xi32>,
      %iota3A_138 = tpu.iota {dimensions = array<i32: 0>} : vector<16xi32>
      %add3A_139 = arith.constant 16 : i32
      %add3A_140 = vector.broadcast %add3A_139 : i32 to vector<16xi32>
      %add3A_141 = arith.addi %iota3A_138, %add3A_140 : vector<16xi32>
      %and3A_142 = arith.constant 15 : i32
      %and3A_143 = vector.broadcast %and3A_142 : i32 to vector<16xi32>
      %and3A_144 = arith.andi %get3A_137, %and3A_143 : vector<16xi32>
      tpu.vector_store_idx %arg15[%add3A_141, %and3A_144], %broadcast_in_dim3A_3 : memref<80x16xf32, #tpu.memory_space<vmem>>[vector<16xi32>, vector<16xi32>], vector<16xf32>,
      %get3A_145 = arith.constant 32 : index
      %get3A_146 = tpu.vector_load %arg10[%get3A_145] {strides = array<i32>} : memref<80xi32, #tpu.memory_space<vmem>>, vector<16xi32>,
      %iota3A_147 = tpu.iota {dimensions = array<i32: 0>} : vector<16xi32>
      %add3A_148 = arith.constant 32 : i32
      %add3A_149 = vector.broadcast %add3A_148 : i32 to vector<16xi32>
      %add3A_150 = arith.addi %iota3A_147, %add3A_149 : vector<16xi32>
      %and3A_151 = arith.constant 15 : i32
      %and3A_152 = vector.broadcast %and3A_151 : i32 to vector<16xi32>
      %and3A_153 = arith.andi %get3A_146, %and3A_152 : vector<16xi32>
      tpu.vector_store_idx %arg15[%add3A_150, %and3A_153], %broadcast_in_dim3A_3 : memref<80x16xf32, #tpu.memory_space<vmem>>[vector<16xi32>, vector<16xi32>], vector<16xf32>,
      %get3A_154 = arith.constant 48 : index
      %get3A_155 = tpu.vector_load %arg10[%get3A_154] {strides = array<i32>} : memref<80xi32, #tpu.memory_space<vmem>>, vector<16xi32>,
      %iota3A_156 = tpu.iota {dimensions = array<i32: 0>} : vector<16xi32>
      %add3A_157 = arith.constant 48 : i32
      %add3A_158 = vector.broadcast %add3A_157 : i32 to vector<16xi32>
      %add3A_159 = arith.addi %iota3A_156, %add3A_158 : vector<16xi32>
      %and3A_160 = arith.constant 15 : i32
      %and3A_161 = vector.broadcast %and3A_160 : i32 to vector<16xi32>
      %and3A_162 = arith.andi %get3A_155, %and3A_161 : vector<16xi32>
      tpu.vector_store_idx %arg15[%add3A_159, %and3A_162], %broadcast_in_dim3A_3 : memref<80x16xf32, #tpu.memory_space<vmem>>[vector<16xi32>, vector<16xi32>], vector<16xf32>,
      %get3A_163 = arith.constant 64 : index
      %get3A_164 = tpu.vector_load %arg10[%get3A_163] {strides = array<i32>} : memref<80xi32, #tpu.memory_space<vmem>>, vector<16xi32>,
      %iota3A_165 = tpu.iota {dimensions = array<i32: 0>} : vector<16xi32>
      %add3A_166 = arith.constant 64 : i32
      %add3A_167 = vector.broadcast %add3A_166 : i32 to vector<16xi32>
      %add3A_168 = arith.addi %iota3A_165, %add3A_167 : vector<16xi32>
      %and3A_169 = arith.constant 15 : i32
      %and3A_170 = vector.broadcast %and3A_169 : i32 to vector<16xi32>
      %and3A_171 = arith.andi %get3A_164, %and3A_170 : vector<16xi32>
      tpu.vector_store_idx %arg15[%add3A_168, %and3A_171], %broadcast_in_dim3A_3 : memref<80x16xf32, #tpu.memory_space<vmem>>[vector<16xi32>, vector<16xi32>], vector<16xf32>,
      %add3A_172 = arith.constant 2 : i32
      %add3A_173 = arith.addi %add3A_52, %add3A_172 : i32
      %lt3A_174 = arith.constant 250 : i32
      %lt3A_175 = arith.cmpi slt, %add3A_173, %lt3A_174 : i32
      %convert_element_type3A_176 = arith.extui %lt3A_175 : i1 to i32
      %cond3A_177 = arith.constant 0 : i32
      %cond3A_178 = arith.cmpi ne, %convert_element_type3A_176, %cond3A_177 : i32
      scf.if %cond3A_178 {
        %add3A_315 = arith.constant 2 : i32
        %add3A_316 = arith.addi %add3A_52, %add3A_315 : i32
        %mul3A_317 = arith.constant 80 : i32
        %mul3A_318 = arith.muli %add3A_316, %mul3A_317 : i32
        %add3A_319 = arith.addi %mul3A_11, %mul3A_318 : i32
        %multiple_of3A_320 = tpu.assume_multiple %add3A_319, 8 : i32
        %dma_start3A_321 = tpu.memref_slice %arg3[%multiple_of3A_320] : memref<640000xi32, #tpu.memory_space<hbm>> -> memref<80xi32, #tpu.memory_space<hbm>>
        %dma_start3A_322 = tpu.memref_slice %arg3[%multiple_of3A_320] : memref<640000xi32, #tpu.memory_space<hbm>> -> memref<80xi32, #tpu.memory_space<hbm>>
        tpu.enqueue_dma source(%dma_start3A_322 : memref<80xi32, #tpu.memory_space<hbm>>) target(%arg8 : memref<80xi32, #tpu.memory_space<vmem>>) target_semaphore(%arg18 : memref<!tpu.dma_semaphore, #tpu.memory_space<semaphore_mem>>)
        %dma_start3A_323 = tpu.memref_slice %arg4[%multiple_of3A_320] : memref<640000xi32, #tpu.memory_space<hbm>> -> memref<80xi32, #tpu.memory_space<hbm>>
        %dma_start3A_324 = tpu.memref_slice %arg4[%multiple_of3A_320] : memref<640000xi32, #tpu.memory_space<hbm>> -> memref<80xi32, #tpu.memory_space<hbm>>
        tpu.enqueue_dma source(%dma_start3A_324 : memref<80xi32, #tpu.memory_space<hbm>>) target(%arg10 : memref<80xi32, #tpu.memory_space<vmem>>) target_semaphore(%arg18 : memref<!tpu.dma_semaphore, #tpu.memory_space<semaphore_mem>>)
      } else {
      }
      %mul3A_179 = arith.constant 2 : i32
      %mul3A_180 = arith.muli %add3A_48, %mul3A_179 : i32
      %add3A_181 = arith.constant 1 : i32
      %add3A_182 = arith.addi %mul3A_180, %add3A_181 : i32
      %add3A_183 = arith.constant 1 : i32
      %add3A_184 = arith.addi %add3A_182, %add3A_183 : i32
      %lt3A_185 = arith.constant 250 : i32
      %lt3A_186 = arith.cmpi slt, %add3A_184, %lt3A_185 : i32
      %convert_element_type3A_187 = arith.extui %lt3A_186 : i1 to i32
      %cond3A_188 = arith.constant 0 : i32
      %cond3A_189 = arith.cmpi ne, %convert_element_type3A_187, %cond3A_188 : i32
      scf.if %cond3A_189 {
        %dma_wait3A_315 = arith.constant 0 : i32
        %dma_wait3A_316 = tpu.memref_slice %arg3[%dma_wait3A_315] : memref<640000xi32, #tpu.memory_space<hbm>> -> memref<80xi32, #tpu.memory_space<hbm>>
        %dma_wait3A_317 = arith.constant 0 : i32
        %dma_wait3A_318 = tpu.memref_slice %arg3[%dma_wait3A_317] : memref<640000xi32, #tpu.memory_space<hbm>> -> memref<80xi32, #tpu.memory_space<hbm>>
        tpu.wait_dma2 semaphore(%arg18 : memref<!tpu.dma_semaphore, #tpu.memory_space<semaphore_mem>>) src(%dma_wait3A_318 : memref<80xi32, #tpu.memory_space<hbm>>) dst(%arg8 : memref<80xi32, #tpu.memory_space<vmem>>)
        %dma_wait3A_319 = arith.constant 0 : i32
        %dma_wait3A_320 = tpu.memref_slice %arg4[%dma_wait3A_319] : memref<640000xi32, #tpu.memory_space<hbm>> -> memref<80xi32, #tpu.memory_space<hbm>>
        %dma_wait3A_321 = arith.constant 0 : i32
        %dma_wait3A_322 = tpu.memref_slice %arg4[%dma_wait3A_321] : memref<640000xi32, #tpu.memory_space<hbm>> -> memref<80xi32, #tpu.memory_space<hbm>>
        tpu.wait_dma2 semaphore(%arg18 : memref<!tpu.dma_semaphore, #tpu.memory_space<semaphore_mem>>) src(%dma_wait3A_322 : memref<80xi32, #tpu.memory_space<hbm>>) dst(%arg10 : memref<80xi32, #tpu.memory_space<vmem>>)
        %dma_start3A_323 = arith.constant 0 : i32
        %dma_start3A_324 = arith.constant 0 : i32
        %dma_start3A_325 = tpu.memref_slice %arg2[%dma_start3A_323, %dma_start3A_324] : memref<160000x128xf32, #tpu.memory_space<hbm>> -> memref<160000x128xf32, #tpu.memory_space<hbm>>
        tpu.enqueue_indirect_dma source(%dma_start3A_325 : memref<160000x128xf32, #tpu.memory_space<hbm>>) target(%arg13 : memref<80x128xf32, #tpu.memory_space<vmem>>) offsets(%arg8 : memref<80xi32, #tpu.memory_space<vmem>>) semaphore(%arg20 : memref<!tpu.dma_semaphore, #tpu.memory_space<semaphore_mem>>)
      } else {
      }
      %dma_wait3A_190 = arith.constant 0 : i32
      %dma_wait3A_191 = arith.constant 0 : i32
      %dma_wait3A_192 = tpu.memref_slice %arg2[%dma_wait3A_190, %dma_wait3A_191] : memref<160000x128xf32, #tpu.memory_space<hbm>> -> memref<160000x128xf32, #tpu.memory_space<hbm>>
      tpu.wait_indirect_dma semaphore(%arg21 : memref<!tpu.dma_semaphore, #tpu.memory_space<semaphore_mem>>) src(%dma_wait3A_192 : memref<160000x128xf32, #tpu.memory_space<hbm>>) dst(%arg14 : memref<80x128xf32, #tpu.memory_space<vmem>>)
      "tpu.region"() ({
        %run_scoped3A = tpu.sem_alloc : memref<!tpu.dma_semaphore, #tpu.memory_space<semaphore_mem>>
        %dma_start3A_315 = arith.constant 0 : i32
        %dma_start3A_316 = arith.constant 0 : i32
        %dma_start3A_317 = tpu.memref_slice %arg16[%dma_start3A_315, %dma_start3A_316] : memref<10240x128xf32, #tpu.memory_space<vmem_shared>> -> memref<10240x128xf32, #tpu.memory_space<vmem_shared>>
        tpu.enqueue_indirect_dma source(%arg14 : memref<80x128xf32, #tpu.memory_space<vmem>>) target(%dma_start3A_317 : memref<10240x128xf32, #tpu.memory_space<vmem_shared>>) offsets(%arg11 : memref<80xi32, #tpu.memory_space<vmem>>) semaphore(%run_scoped3A : memref<!tpu.dma_semaphore, #tpu.memory_space<semaphore_mem>>) {add = true}
        %dma_wait3A_318 = arith.constant 0 : i32
        %dma_wait3A_319 = arith.constant 0 : i32
        %dma_wait3A_320 = tpu.memref_slice %arg16[%dma_wait3A_318, %dma_wait3A_319] : memref<10240x128xf32, #tpu.memory_space<vmem_shared>> -> memref<10240x128xf32, #tpu.memory_space<vmem_shared>>
        tpu.wait_indirect_dma semaphore(%run_scoped3A : memref<!tpu.dma_semaphore, #tpu.memory_space<semaphore_mem>>) src(%arg14 : memref<80x128xf32, #tpu.memory_space<vmem>>) dst(%dma_wait3A_320 : memref<10240x128xf32, #tpu.memory_space<vmem_shared>>)
        tpu.yield
      }) : () -> ()
      %get3A_193 = arith.constant 0 : index
      %get3A_194 = tpu.vector_load %arg11[%get3A_193] {strides = array<i32>} : memref<80xi32, #tpu.memory_space<vmem>>, vector<16xi32>,
      %shift_right_logical3A_195 = arith.constant 4 : i32
      %shift_right_logical3A_196 = vector.broadcast %shift_right_logical3A_195 : i32 to vector<16xi32>
      %shift_right_logical3A_197 = arith.shrui %get3A_194, %shift_right_logical3A_196 : vector<16xi32>
      %swap3A_198 = arith.constant 0 : index
      %swap3A_199 = tpu.vector_load %arg12[%swap3A_198] {strides = array<i32>} : memref<80xi32, #tpu.memory_space<vmem>>, vector<16xi32>,
      tpu.vector_store %arg12[%swap3A_198], %shift_right_logical3A_197 {strides = array<i32>} : memref<80xi32, #tpu.memory_space<vmem>>, vector<16xi32>,
      %iota3A_200 = tpu.iota {dimensions = array<i32: 0>} : vector<16xi32>
      %add3A_201 = arith.constant 0 : i32
      %add3A_202 = vector.broadcast %add3A_201 : i32 to vector<16xi32>
      %add3A_203 = arith.addi %iota3A_200, %add3A_202 : vector<16xi32>
      %and3A_204 = arith.constant 15 : i32
      %and3A_205 = vector.broadcast %and3A_204 : i32 to vector<16xi32>
      %and3A_206 = arith.andi %get3A_194, %and3A_205 : vector<16xi32>
      tpu.vector_store_idx %arg15[%add3A_203, %and3A_206], %broadcast_in_dim3A_35 : memref<80x16xf32, #tpu.memory_space<vmem>>[vector<16xi32>, vector<16xi32>], vector<16xf32>,
      %get3A_207 = arith.constant 16 : index
      %get3A_208 = tpu.vector_load %arg11[%get3A_207] {strides = array<i32>} : memref<80xi32, #tpu.memory_space<vmem>>, vector<16xi32>,
      %shift_right_logical3A_209 = arith.constant 4 : i32
      %shift_right_logical3A_210 = vector.broadcast %shift_right_logical3A_209 : i32 to vector<16xi32>
      %shift_right_logical3A_211 = arith.shrui %get3A_208, %shift_right_logical3A_210 : vector<16xi32>
      %swap3A_212 = arith.constant 16 : index
      %swap3A_213 = tpu.vector_load %arg12[%swap3A_212] {strides = array<i32>} : memref<80xi32, #tpu.memory_space<vmem>>, vector<16xi32>,
      tpu.vector_store %arg12[%swap3A_212], %shift_right_logical3A_211 {strides = array<i32>} : memref<80xi32, #tpu.memory_space<vmem>>, vector<16xi32>,
      %iota3A_214 = tpu.iota {dimensions = array<i32: 0>} : vector<16xi32>
      %add3A_215 = arith.constant 16 : i32
      %add3A_216 = vector.broadcast %add3A_215 : i32 to vector<16xi32>
      %add3A_217 = arith.addi %iota3A_214, %add3A_216 : vector<16xi32>
      %and3A_218 = arith.constant 15 : i32
      %and3A_219 = vector.broadcast %and3A_218 : i32 to vector<16xi32>
      %and3A_220 = arith.andi %get3A_208, %and3A_219 : vector<16xi32>
      tpu.vector_store_idx %arg15[%add3A_217, %and3A_220], %broadcast_in_dim3A_35 : memref<80x16xf32, #tpu.memory_space<vmem>>[vector<16xi32>, vector<16xi32>], vector<16xf32>,
      %get3A_221 = arith.constant 32 : index
      %get3A_222 = tpu.vector_load %arg11[%get3A_221] {strides = array<i32>} : memref<80xi32, #tpu.memory_space<vmem>>, vector<16xi32>,
      %shift_right_logical3A_223 = arith.constant 4 : i32
      %shift_right_logical3A_224 = vector.broadcast %shift_right_logical3A_223 : i32 to vector<16xi32>
      %shift_right_logical3A_225 = arith.shrui %get3A_222, %shift_right_logical3A_224 : vector<16xi32>
      %swap3A_226 = arith.constant 32 : index
      %swap3A_227 = tpu.vector_load %arg12[%swap3A_226] {strides = array<i32>} : memref<80xi32, #tpu.memory_space<vmem>>, vector<16xi32>,
      tpu.vector_store %arg12[%swap3A_226], %shift_right_logical3A_225 {strides = array<i32>} : memref<80xi32, #tpu.memory_space<vmem>>, vector<16xi32>,
      %iota3A_228 = tpu.iota {dimensions = array<i32: 0>} : vector<16xi32>
      %add3A_229 = arith.constant 32 : i32
      %add3A_230 = vector.broadcast %add3A_229 : i32 to vector<16xi32>
      %add3A_231 = arith.addi %iota3A_228, %add3A_230 : vector<16xi32>
      %and3A_232 = arith.constant 15 : i32
      %and3A_233 = vector.broadcast %and3A_232 : i32 to vector<16xi32>
      %and3A_234 = arith.andi %get3A_222, %and3A_233 : vector<16xi32>
      tpu.vector_store_idx %arg15[%add3A_231, %and3A_234], %broadcast_in_dim3A_35 : memref<80x16xf32, #tpu.memory_space<vmem>>[vector<16xi32>, vector<16xi32>], vector<16xf32>,
      %get3A_235 = arith.constant 48 : index
      %get3A_236 = tpu.vector_load %arg11[%get3A_235] {strides = array<i32>} : memref<80xi32, #tpu.memory_space<vmem>>, vector<16xi32>,
      %shift_right_logical3A_237 = arith.constant 4 : i32
      %shift_right_logical3A_238 = vector.broadcast %shift_right_logical3A_237 : i32 to vector<16xi32>
      %shift_right_logical3A_239 = arith.shrui %get3A_236, %shift_right_logical3A_238 : vector<16xi32>
      %swap3A_240 = arith.constant 48 : index
      %swap3A_241 = tpu.vector_load %arg12[%swap3A_240] {strides = array<i32>} : memref<80xi32, #tpu.memory_space<vmem>>, vector<16xi32>,
      tpu.vector_store %arg12[%swap3A_240], %shift_right_logical3A_239 {strides = array<i32>} : memref<80xi32, #tpu.memory_space<vmem>>, vector<16xi32>,
      %iota3A_242 = tpu.iota {dimensions = array<i32: 0>} : vector<16xi32>
      %add3A_243 = arith.constant 48 : i32
      %add3A_244 = vector.broadcast %add3A_243 : i32 to vector<16xi32>
      %add3A_245 = arith.addi %iota3A_242, %add3A_244 : vector<16xi32>
      %and3A_246 = arith.constant 15 : i32
      %and3A_247 = vector.broadcast %and3A_246 : i32 to vector<16xi32>
      %and3A_248 = arith.andi %get3A_236, %and3A_247 : vector<16xi32>
      tpu.vector_store_idx %arg15[%add3A_245, %and3A_248], %broadcast_in_dim3A_35 : memref<80x16xf32, #tpu.memory_space<vmem>>[vector<16xi32>, vector<16xi32>], vector<16xf32>,
      %get3A_249 = arith.constant 64 : index
      %get3A_250 = tpu.vector_load %arg11[%get3A_249] {strides = array<i32>} : memref<80xi32, #tpu.memory_space<vmem>>, vector<16xi32>,
      %shift_right_logical3A_251 = arith.constant 4 : i32
      %shift_right_logical3A_252 = vector.broadcast %shift_right_logical3A_251 : i32 to vector<16xi32>
      %shift_right_logical3A_253 = arith.shrui %get3A_250, %shift_right_logical3A_252 : vector<16xi32>
      %swap3A_254 = arith.constant 64 : index
      %swap3A_255 = tpu.vector_load %arg12[%swap3A_254] {strides = array<i32>} : memref<80xi32, #tpu.memory_space<vmem>>, vector<16xi32>,
      tpu.vector_store %arg12[%swap3A_254], %shift_right_logical3A_253 {strides = array<i32>} : memref<80xi32, #tpu.memory_space<vmem>>, vector<16xi32>,
      %iota3A_256 = tpu.iota {dimensions = array<i32: 0>} : vector<16xi32>
      %add3A_257 = arith.constant 64 : i32
      %add3A_258 = vector.broadcast %add3A_257 : i32 to vector<16xi32>
      %add3A_259 = arith.addi %iota3A_256, %add3A_258 : vector<16xi32>
      %and3A_260 = arith.constant 15 : i32
      %and3A_261 = vector.broadcast %and3A_260 : i32 to vector<16xi32>
      %and3A_262 = arith.andi %get3A_250, %and3A_261 : vector<16xi32>
      tpu.vector_store_idx %arg15[%add3A_259, %and3A_262], %broadcast_in_dim3A_35 : memref<80x16xf32, #tpu.memory_space<vmem>>[vector<16xi32>, vector<16xi32>], vector<16xf32>,
      "tpu.region"() ({
        %run_scoped3A = tpu.sem_alloc : memref<!tpu.dma_semaphore, #tpu.memory_space<semaphore_mem>>
        %dma_start3A_315 = arith.constant 0 : i32
        %dma_start3A_316 = arith.constant 0 : i32
        %dma_start3A_317 = tpu.memref_slice %arg17[%dma_start3A_315, %dma_start3A_316] : memref<640x16xf32, #tpu.memory_space<vmem_shared>> -> memref<640x16xf32, #tpu.memory_space<vmem_shared>>
        tpu.enqueue_indirect_dma source(%arg15 : memref<80x16xf32, #tpu.memory_space<vmem>>) target(%dma_start3A_317 : memref<640x16xf32, #tpu.memory_space<vmem_shared>>) offsets(%arg12 : memref<80xi32, #tpu.memory_space<vmem>>) semaphore(%run_scoped3A : memref<!tpu.dma_semaphore, #tpu.memory_space<semaphore_mem>>) {add = true}
        %dma_wait3A_318 = arith.constant 0 : i32
        %dma_wait3A_319 = arith.constant 0 : i32
        %dma_wait3A_320 = tpu.memref_slice %arg17[%dma_wait3A_318, %dma_wait3A_319] : memref<640x16xf32, #tpu.memory_space<vmem_shared>> -> memref<640x16xf32, #tpu.memory_space<vmem_shared>>
        tpu.wait_indirect_dma semaphore(%run_scoped3A : memref<!tpu.dma_semaphore, #tpu.memory_space<semaphore_mem>>) src(%arg15 : memref<80x16xf32, #tpu.memory_space<vmem>>) dst(%dma_wait3A_320 : memref<640x16xf32, #tpu.memory_space<vmem_shared>>)
        tpu.yield
      }) : () -> ()
      %get3A_263 = arith.constant 0 : index
      %get3A_264 = tpu.vector_load %arg11[%get3A_263] {strides = array<i32>} : memref<80xi32, #tpu.memory_space<vmem>>, vector<16xi32>,
      %iota3A_265 = tpu.iota {dimensions = array<i32: 0>} : vector<16xi32>
      %add3A_266 = arith.constant 0 : i32
      %add3A_267 = vector.broadcast %add3A_266 : i32 to vector<16xi32>
      %add3A_268 = arith.addi %iota3A_265, %add3A_267 : vector<16xi32>
      %and3A_269 = arith.constant 15 : i32
      %and3A_270 = vector.broadcast %and3A_269 : i32 to vector<16xi32>
      %and3A_271 = arith.andi %get3A_264, %and3A_270 : vector<16xi32>
      tpu.vector_store_idx %arg15[%add3A_268, %and3A_271], %broadcast_in_dim3A_3 : memref<80x16xf32, #tpu.memory_space<vmem>>[vector<16xi32>, vector<16xi32>], vector<16xf32>,
      %get3A_272 = arith.constant 16 : index
      %get3A_273 = tpu.vector_load %arg11[%get3A_272] {strides = array<i32>} : memref<80xi32, #tpu.memory_space<vmem>>, vector<16xi32>,
      %iota3A_274 = tpu.iota {dimensions = array<i32: 0>} : vector<16xi32>
      %add3A_275 = arith.constant 16 : i32
      %add3A_276 = vector.broadcast %add3A_275 : i32 to vector<16xi32>
      %add3A_277 = arith.addi %iota3A_274, %add3A_276 : vector<16xi32>
      %and3A_278 = arith.constant 15 : i32
      %and3A_279 = vector.broadcast %and3A_278 : i32 to vector<16xi32>
      %and3A_280 = arith.andi %get3A_273, %and3A_279 : vector<16xi32>
      tpu.vector_store_idx %arg15[%add3A_277, %and3A_280], %broadcast_in_dim3A_3 : memref<80x16xf32, #tpu.memory_space<vmem>>[vector<16xi32>, vector<16xi32>], vector<16xf32>,
      %get3A_281 = arith.constant 32 : index
      %get3A_282 = tpu.vector_load %arg11[%get3A_281] {strides = array<i32>} : memref<80xi32, #tpu.memory_space<vmem>>, vector<16xi32>,
      %iota3A_283 = tpu.iota {dimensions = array<i32: 0>} : vector<16xi32>
      %add3A_284 = arith.constant 32 : i32
      %add3A_285 = vector.broadcast %add3A_284 : i32 to vector<16xi32>
      %add3A_286 = arith.addi %iota3A_283, %add3A_285 : vector<16xi32>
      %and3A_287 = arith.constant 15 : i32
      %and3A_288 = vector.broadcast %and3A_287 : i32 to vector<16xi32>
      %and3A_289 = arith.andi %get3A_282, %and3A_288 : vector<16xi32>
      tpu.vector_store_idx %arg15[%add3A_286, %and3A_289], %broadcast_in_dim3A_3 : memref<80x16xf32, #tpu.memory_space<vmem>>[vector<16xi32>, vector<16xi32>], vector<16xf32>,
      %get3A_290 = arith.constant 48 : index
      %get3A_291 = tpu.vector_load %arg11[%get3A_290] {strides = array<i32>} : memref<80xi32, #tpu.memory_space<vmem>>, vector<16xi32>,
      %iota3A_292 = tpu.iota {dimensions = array<i32: 0>} : vector<16xi32>
      %add3A_293 = arith.constant 48 : i32
      %add3A_294 = vector.broadcast %add3A_293 : i32 to vector<16xi32>
      %add3A_295 = arith.addi %iota3A_292, %add3A_294 : vector<16xi32>
      %and3A_296 = arith.constant 15 : i32
      %and3A_297 = vector.broadcast %and3A_296 : i32 to vector<16xi32>
      %and3A_298 = arith.andi %get3A_291, %and3A_297 : vector<16xi32>
      tpu.vector_store_idx %arg15[%add3A_295, %and3A_298], %broadcast_in_dim3A_3 : memref<80x16xf32, #tpu.memory_space<vmem>>[vector<16xi32>, vector<16xi32>], vector<16xf32>,
      %get3A_299 = arith.constant 64 : index
      %get3A_300 = tpu.vector_load %arg11[%get3A_299] {strides = array<i32>} : memref<80xi32, #tpu.memory_space<vmem>>, vector<16xi32>,
      %iota3A_301 = tpu.iota {dimensions = array<i32: 0>} : vector<16xi32>
      %add3A_302 = arith.constant 64 : i32
      %add3A_303 = vector.broadcast %add3A_302 : i32 to vector<16xi32>
      %add3A_304 = arith.addi %iota3A_301, %add3A_303 : vector<16xi32>
      %and3A_305 = arith.constant 15 : i32
      %and3A_306 = vector.broadcast %and3A_305 : i32 to vector<16xi32>
      %and3A_307 = arith.andi %get3A_300, %and3A_306 : vector<16xi32>
      tpu.vector_store_idx %arg15[%add3A_304, %and3A_307], %broadcast_in_dim3A_3 : memref<80x16xf32, #tpu.memory_space<vmem>>[vector<16xi32>, vector<16xi32>], vector<16xf32>,
      %add3A_308 = arith.constant 2 : i32
      %add3A_309 = arith.addi %add3A_182, %add3A_308 : i32
      %lt3A_310 = arith.constant 250 : i32
      %lt3A_311 = arith.cmpi slt, %add3A_309, %lt3A_310 : i32
      %convert_element_type3A_312 = arith.extui %lt3A_311 : i1 to i32
      %cond3A_313 = arith.constant 0 : i32
      %cond3A_314 = arith.cmpi ne, %convert_element_type3A_312, %cond3A_313 : i32
      scf.if %cond3A_314 {
        %add3A_315 = arith.constant 2 : i32
        %add3A_316 = arith.addi %add3A_182, %add3A_315 : i32
        %mul3A_317 = arith.constant 80 : i32
        %mul3A_318 = arith.muli %add3A_316, %mul3A_317 : i32
        %add3A_319 = arith.addi %mul3A_11, %mul3A_318 : i32
        %multiple_of3A_320 = tpu.assume_multiple %add3A_319, 8 : i32
        %dma_start3A_321 = tpu.memref_slice %arg3[%multiple_of3A_320] : memref<640000xi32, #tpu.memory_space<hbm>> -> memref<80xi32, #tpu.memory_space<hbm>>
        %dma_start3A_322 = tpu.memref_slice %arg3[%multiple_of3A_320] : memref<640000xi32, #tpu.memory_space<hbm>> -> memref<80xi32, #tpu.memory_space<hbm>>
        tpu.enqueue_dma source(%dma_start3A_322 : memref<80xi32, #tpu.memory_space<hbm>>) target(%arg9 : memref<80xi32, #tpu.memory_space<vmem>>) target_semaphore(%arg19 : memref<!tpu.dma_semaphore, #tpu.memory_space<semaphore_mem>>)
        %dma_start3A_323 = tpu.memref_slice %arg4[%multiple_of3A_320] : memref<640000xi32, #tpu.memory_space<hbm>> -> memref<80xi32, #tpu.memory_space<hbm>>
        %dma_start3A_324 = tpu.memref_slice %arg4[%multiple_of3A_320] : memref<640000xi32, #tpu.memory_space<hbm>> -> memref<80xi32, #tpu.memory_space<hbm>>
        tpu.enqueue_dma source(%dma_start3A_324 : memref<80xi32, #tpu.memory_space<hbm>>) target(%arg11 : memref<80xi32, #tpu.memory_space<vmem>>) target_semaphore(%arg19 : memref<!tpu.dma_semaphore, #tpu.memory_space<semaphore_mem>>)
      } else {
      }
    }
    %scan3A_40 = arith.constant 125 : i32
    %barrier3A_41 = arith.constant 0 : index
    tpu.barrier barrier_id(%barrier3A_41)
    "tpu.region"() ({
      %run_scoped3A = tpu.sem_alloc : memref<!tpu.dma_semaphore, #tpu.memory_space<semaphore_mem>>
      %dma_start3A_44 = arith.constant 0 : i32
      %dma_start3A_45 = tpu.memref_slice %arg6[%arg0, %mul3A_2, %dma_start3A_44] : memref<2x10240x128xf32, #tpu.memory_space<hbm>> -> memref<1x640x128xf32, #tpu.memory_space<hbm>>
      %dma_start3A_46 = tpu.memref_squeeze %dma_start3A_45 : memref<1x640x128xf32, #tpu.memory_space<hbm>> -> memref<640x128xf32, #tpu.memory_space<hbm>>
      %dma_start3A_47 = arith.constant 0 : i32
      %dma_start3A_48 = tpu.memref_slice %arg16[%mul3A_2, %dma_start3A_47] : memref<10240x128xf32, #tpu.memory_space<vmem_shared>> -> memref<640x128xf32, #tpu.memory_space<vmem_shared>>
      tpu.enqueue_dma source(%dma_start3A_48 : memref<640x128xf32, #tpu.memory_space<vmem_shared>>) target(%dma_start3A_46 : memref<640x128xf32, #tpu.memory_space<hbm>>) target_semaphore(%run_scoped3A : memref<!tpu.dma_semaphore, #tpu.memory_space<semaphore_mem>>)
      %dma_wait3A_49 = arith.constant 0 : i32
      %dma_wait3A_50 = tpu.memref_slice %arg6[%arg0, %mul3A_2, %dma_wait3A_49] : memref<2x10240x128xf32, #tpu.memory_space<hbm>> -> memref<1x640x128xf32, #tpu.memory_space<hbm>>
      %dma_wait3A_51 = tpu.memref_squeeze %dma_wait3A_50 : memref<1x640x128xf32, #tpu.memory_space<hbm>> -> memref<640x128xf32, #tpu.memory_space<hbm>>
      %dma_wait3A_52 = arith.constant 0 : i32
      %dma_wait3A_53 = tpu.memref_slice %arg16[%mul3A_2, %dma_wait3A_52] : memref<10240x128xf32, #tpu.memory_space<vmem_shared>> -> memref<640x128xf32, #tpu.memory_space<vmem_shared>>
      tpu.wait_dma2 semaphore(%run_scoped3A : memref<!tpu.dma_semaphore, #tpu.memory_space<semaphore_mem>>) src(%dma_wait3A_53 : memref<640x128xf32, #tpu.memory_space<vmem_shared>>) dst(%dma_wait3A_51 : memref<640x128xf32, #tpu.memory_space<hbm>>)
      tpu.yield
    }) : () -> ()
    %eq3A = arith.constant 0 : i32
    %eq3A_42 = arith.cmpi eq, %arg1, %eq3A : i32
    %convert_element_type3A = arith.extui %eq3A_42 : i1 to i32
    %cond3A = arith.constant 0 : i32
    %cond3A_43 = arith.cmpi ne, %convert_element_type3A, %cond3A : i32
    scf.if %cond3A_43 {
      "tpu.region"() ({
        %run_scoped3A = tpu.sem_alloc : memref<!tpu.dma_semaphore, #tpu.memory_space<semaphore_mem>>
        %dma_start3A_44 = arith.constant 0 : i32
        %dma_start3A_45 = arith.constant 0 : i32
        %dma_start3A_46 = tpu.memref_slice %arg7[%arg0, %dma_start3A_44, %dma_start3A_45] : memref<2x640x16xf32, #tpu.memory_space<hbm>> -> memref<1x640x16xf32, #tpu.memory_space<hbm>>
        %dma_start3A_47 = tpu.memref_squeeze %dma_start3A_46 : memref<1x640x16xf32, #tpu.memory_space<hbm>> -> memref<640x16xf32, #tpu.memory_space<hbm>>
        tpu.enqueue_dma source(%arg17 : memref<640x16xf32, #tpu.memory_space<vmem_shared>>) target(%dma_start3A_47 : memref<640x16xf32, #tpu.memory_space<hbm>>) target_semaphore(%run_scoped3A : memref<!tpu.dma_semaphore, #tpu.memory_space<semaphore_mem>>)
        %dma_wait3A_48 = arith.constant 0 : i32
        %dma_wait3A_49 = arith.constant 0 : i32
        %dma_wait3A_50 = tpu.memref_slice %arg7[%arg0, %dma_wait3A_48, %dma_wait3A_49] : memref<2x640x16xf32, #tpu.memory_space<hbm>> -> memref<1x640x16xf32, #tpu.memory_space<hbm>>
        %dma_wait3A_51 = tpu.memref_squeeze %dma_wait3A_50 : memref<1x640x16xf32, #tpu.memory_space<hbm>> -> memref<640x16xf32, #tpu.memory_space<hbm>>
        tpu.wait_dma2 semaphore(%run_scoped3A : memref<!tpu.dma_semaphore, #tpu.memory_space<semaphore_mem>>) src(%arg17 : memref<640x16xf32, #tpu.memory_space<vmem_shared>>) dst(%dma_wait3A_51 : memref<640x16xf32, #tpu.memory_space<hbm>>)
        tpu.yield
      }) : () -> ()
    } else {
    }
    return
  }
}

module attributes {stable_mosaic.version = 14 : i64} {
  func.func @_ht_body(%arg0: i32, %arg1: i32, %arg2: memref<1000x128xf32, #tpu.memory_space<vmem>>, %arg3: memref<1x128x128xf32, #tpu.memory_space<vmem>>, %arg4: memref<1000x128xf32, #tpu.memory_space<vmem>>) attributes {dimension_semantics = [#tpu.dimension_semantics<arbitrary>, #tpu.dimension_semantics<arbitrary>], iteration_bounds = array<i64: 10, 16>, scalar_prefetch = 0 : i64, scratch_operands = 0 : i64, tpu.core_type = #tpu.core_type<tc>, window_params = [{transform_indices = @transform_0, window_bounds = array<i64: 1000, 128>}, {transform_indices = @transform_1, window_bounds = array<i64: 1, 128, 128>}, {transform_indices = @transform_2, window_bounds = array<i64: 1000, 128>}]} {
    %get3A = arith.constant 0 : index
    %get3A_0 = arith.constant 0 : index
    %get3A_1 = vector.load %arg2[%get3A, %get3A_0] : memref<1000x128xf32, #tpu.memory_space<vmem>>, vector<1000x128xf32>
    %get3A_2 = arith.constant 0 : index
    %get3A_3 = arith.constant 0 : index
    %get3A_4 = arith.constant 0 : index
    %get3A_5 = vector.load %arg3[%get3A_2, %get3A_3, %get3A_4] : memref<1x128x128xf32, #tpu.memory_space<vmem>>, vector<1x128x128xf32>
    %get3A_6 = vector.shape_cast %get3A_5 : vector<1x128x128xf32> to vector<128x128xf32>
    %dot_general3A = arith.constant dense<0.000000e+00> : vector<1000x128xf32>
    %dot_general3A_7 = tpu.matmul %get3A_1, %get3A_6, %dot_general3A {dimension_numbers = #tpu.dot_dimension_numbers<[1], [0], [0], [1], [0, 0, 1, 1], [], []>, transpose_lhs_hint = false} : vector<1000x128xf32>, vector<128x128xf32>, vector<1000x128xf32> -> vector<1000x128xf32>
    %swap3A = arith.constant 0 : index
    %swap3A_8 = arith.constant 0 : index
    %swap3A_9 = vector.load %arg4[%swap3A, %swap3A_8] : memref<1000x128xf32, #tpu.memory_space<vmem>>, vector<1000x128xf32>
    tpu.vector_store %arg4[%swap3A, %swap3A_8], %dot_general3A_7 {strides = array<i32>} : memref<1000x128xf32, #tpu.memory_space<vmem>>, vector<1000x128xf32>,
    return
  }
  func.func @transform_0(%arg0: i32, %arg1: i32) -> (i32, i32) {
    %c0_i32 = arith.constant 0 : i32
    %c0_i32_0 = arith.constant 0 : i32
    return %arg0, %c0_i32 : i32, i32
  }
  func.func @transform_1(%arg0: i32, %arg1: i32) -> (i32, i32, i32) {
    %c0_i32 = arith.constant 0 : i32
    %c0_i32_0 = arith.constant 0 : i32
    %c0_i32_1 = arith.constant 0 : i32
    return %arg1, %c0_i32, %c0_i32_0 : i32, i32, i32
  }
  func.func @transform_2(%arg0: i32, %arg1: i32) -> (i32, i32) {
    %mul3A = arith.constant 10 : i32
    %mul3A_0 = arith.muli %arg1, %mul3A : i32
    %add3A = arith.addi %mul3A_0, %arg0 : i32
    %c0_i32 = arith.constant 0 : i32
    %c0_i32_1 = arith.constant 0 : i32
    return %add3A, %c0_i32 : i32, i32
  }
}

module attributes {stable_mosaic.version = 14 : i64} {
  func.func @_epi_body(%arg0: i32, %arg1: memref<2x1024x128xf32, #tpu.memory_space<vmem>>, %arg2: memref<1024x128xf32, #tpu.memory_space<vmem>>, %arg3: memref<1024x128xf32, #tpu.memory_space<vmem>>, %arg4: memref<128x128xf32, #tpu.memory_space<vmem>>, %arg5: memref<1024x128xf32, #tpu.memory_space<vmem>>) attributes {dimension_semantics = [#tpu.dimension_semantics<arbitrary>], iteration_bounds = array<i64: 10>, scalar_prefetch = 0 : i64, scratch_operands = 0 : i64, tpu.core_type = #tpu.core_type<tc>, window_params = [{transform_indices = @transform_0, window_bounds = array<i64: 2, 1024, 128>}, {transform_indices = @transform_1, window_bounds = array<i64: 1024, 128>}, {transform_indices = @transform_2, window_bounds = array<i64: 1024, 128>}, {pipeline_mode = #tpu.pipeline_mode<synchronous>, transform_indices = @transform_3, window_bounds = array<i64: 128, 128>}, {transform_indices = @transform_4, window_bounds = array<i64: 1024, 128>}]} {
    %get3A = arith.constant 0 : index
    %get3A_0 = arith.constant 0 : index
    %get3A_1 = arith.constant 0 : index
    %get3A_2 = vector.load %arg1[%get3A, %get3A_0, %get3A_1] : memref<2x1024x128xf32, #tpu.memory_space<vmem>>, vector<1x1024x128xf32>
    %get3A_3 = vector.shape_cast %get3A_2 : vector<1x1024x128xf32> to vector<1024x128xf32>
    %get3A_4 = arith.constant 1 : index
    %get3A_5 = arith.constant 0 : index
    %get3A_6 = arith.constant 0 : index
    %get3A_7 = vector.load %arg1[%get3A_4, %get3A_5, %get3A_6] : memref<2x1024x128xf32, #tpu.memory_space<vmem>>, vector<1x1024x128xf32>
    %get3A_8 = vector.shape_cast %get3A_7 : vector<1x1024x128xf32> to vector<1024x128xf32>
    %add3A = arith.addf %get3A_3, %get3A_8 : vector<1024x128xf32>
    %get3A_9 = arith.constant 0 : index
    %get3A_10 = arith.constant 0 : index
    %get3A_11 = vector.load %arg3[%get3A_9, %get3A_10] : memref<1024x128xf32, #tpu.memory_space<vmem>>, vector<1024x128xf32>
    %get3A_12 = arith.constant 0 : index
    %get3A_13 = arith.constant 0 : index
    %get3A_14 = vector.load %arg4[%get3A_12, %get3A_13] : memref<128x128xf32, #tpu.memory_space<vmem>>, vector<128x128xf32>
    %dot_general3A = arith.constant dense<0.000000e+00> : vector<1024x128xf32>
    %dot_general3A_15 = tpu.matmul %get3A_11, %get3A_14, %dot_general3A {dimension_numbers = #tpu.dot_dimension_numbers<[1], [0], [0], [1], [0, 0, 1, 1], [], []>, transpose_lhs_hint = false} : vector<1024x128xf32>, vector<128x128xf32>, vector<1024x128xf32> -> vector<1024x128xf32>
    %get3A_16 = arith.constant 0 : index
    %get3A_17 = arith.constant 0 : index
    %get3A_18 = vector.load %arg2[%get3A_16, %get3A_17] : memref<1024x128xf32, #tpu.memory_space<vmem>>, vector<1024x128xf32>
    %mul3A = arith.mulf %add3A, %get3A_18 : vector<1024x128xf32>
    %add3A_19 = arith.addf %mul3A, %dot_general3A_15 : vector<1024x128xf32>
    %max3A = arith.constant 0.000000e+00 : f32
    %max3A_20 = vector.broadcast %max3A : f32 to vector<1024x128xf32>
    %max3A_21 = arith.maximumf %add3A_19, %max3A_20 : vector<1024x128xf32>
    %swap3A = arith.constant 0 : index
    %swap3A_22 = arith.constant 0 : index
    %swap3A_23 = vector.load %arg5[%swap3A, %swap3A_22] : memref<1024x128xf32, #tpu.memory_space<vmem>>, vector<1024x128xf32>
    tpu.vector_store %arg5[%swap3A, %swap3A_22], %max3A_21 {strides = array<i32>} : memref<1024x128xf32, #tpu.memory_space<vmem>>, vector<1024x128xf32>,
    return
  }
  func.func @transform_0(%arg0: i32) -> (i32, i32, i32) {
    %c0_i32 = arith.constant 0 : i32
    %c0_i32_0 = arith.constant 0 : i32
    %c0_i32_1 = arith.constant 0 : i32
    return %c0_i32, %arg0, %c0_i32_0 : i32, i32, i32
  }
  func.func @transform_1(%arg0: i32) -> (i32, i32) {
    %c0_i32 = arith.constant 0 : i32
    %c0_i32_0 = arith.constant 0 : i32
    return %arg0, %c0_i32 : i32, i32
  }
  func.func @transform_2(%arg0: i32) -> (i32, i32) {
    %c0_i32 = arith.constant 0 : i32
    %c0_i32_0 = arith.constant 0 : i32
    return %arg0, %c0_i32 : i32, i32
  }
  func.func @transform_3(%arg0: i32) -> (i32, i32) {
    %c0_i32 = arith.constant 0 : i32
    %c0_i32_0 = arith.constant 0 : i32
    %c0_i32_1 = arith.constant 0 : i32
    return %c0_i32, %c0_i32_0 : i32, i32
  }
  func.func @transform_4(%arg0: i32) -> (i32, i32) {
    %c0_i32 = arith.constant 0 : i32
    %c0_i32_0 = arith.constant 0 : i32
    return %arg0, %c0_i32 : i32, i32
  }
}

</mosaic_0001>

<sc_bundles>
// kernel: kernel.5.cloned.1.call-start
scs
__scs_entry_jumppad:
0x0: {  	(pc) =	sbr.rel $0x88, $3  }
0x1: {  	(tag) =	ssettag $0x0;
	lr =	simm.s32 $0x1  }
0x2: {  	[smem:$0x3F9D] =	sst lr;
	_ =	strace $0xD0000000  }
0x3: {  	_ = 	snop  }
0x4: {  	_ = 	snop  }
0x5: {  	_ = 	snop  }
0x6: {  	_ = 	snop  }
0x7: {  	_ = 	snop  }
__scs_overlays_trampoline_lowered:
0x8: {  	[smem:$0x3FAC] =	sst s0  }
0x9: {  	[smem:$0x3FAD] =	sst s1  }
0xa: {  	[smem:$0x3FAE] =	sst s2  }
0xb: {  	[smem:$0x3FAF] =	sst s3  }
0xc: {  	[smem:$0x3FB0] =	sst s4  }
0xd: {  	[smem:$0x3FB1] =	sst s5  }
0xe: {  	[smem:$0x3FB2] =	sst s6  }
0xf: {  	[smem:$0x3FB3] =	sst s7  }
0x10: {  	[smem:$0x3FB4] =	sst s8  }
0x11: {  	[smem:$0x3FB5] =	sst s9;
	s0 =	simm.s32 @!p0 $0x0  }
0x12: {  	s1 =	sld [smem:$0x3F9B];
	s0 =	simm.s32 @p0 $0x1  }
0x13: {  	[smem:$0x3FB6] =	sst s0;
	s0 =	simm.s32 @!p1 $0x0  }
0x14: {  	s2 =	sld [smem:$0x3F9A];
	s0 =	simm.s32 @p1 $0x1  }
0x15: {  	[smem:$0x3FB7] =	sst s0;
	s0 =	simm.s32 @!p2 $0x0  }
0x16: {  	s3 =	sld [smem:$0x3FDB];
	s0 =	simm.s32 @p2 $0x1  }
0x17: {  	s4 =	simm.s32 $0x1BF5;
	[smem:$0x3FB9] =	sst s0  }
0x18: {  	s0 =	sld [smem:$0x3F9C];
	_ =	swait.ge [sflag:s4], $0x0  }
0x19: {  	s7 =	sld [smem:$0x3F9D]  }
0x1a: {  	s8 =	sadd.s32 $0xFFFFE003, lr  }
0x1b: {  	s9 =	sadd.s32 $0xFFFFFEF7, lr;
	s5 =	simm.s32 $0xFFFFFFFF;
	p2 =	slt.u32 s8, $0xFFFFF086  }
0x1c: {  	p1 =	slt.u32 s9, $0xF7A;
	s5 =	simm.s32 @!p2 $0x0  }
0x1d: {  	s5 =	simm.s32 @p1 $0x1;
	p0 =	seq.s32 s7, s2  }
0x1e: {  	s7 =	smul.u32 @!p0 $0xF7A, s2;
	p2 =	seq.s32 @!p0 s5, $0x0  }
0x1f: {  	s9 =	smul.u32 $0xF7A, s1;
	s8 =	simm.s32 @!p0 $0x1BF5;
	p2 =	por !p2, p0  }
0x20: {  	[sflag:s8] =	ssyncset.s32 @!p0 $0xFFFFF086;
	s6 =	sadd.s32 @!p0 s3, s7;
	s7 =	simm.s32 @!p0 $0x108  }
0x21: {  	s3 =	sadd.s32 s3, s9;
	s6 =	sadd.s32 @!p0 $0x88, s6;
	s7 =	simm.s32 @p2 $0x1082  }
0x22: {  	[simem:s7], [sflag:s8] =	dma.local @!p0 [hbm:s6], $0xF7A  }
0x23: {  	s9 =	sor.u32 $0xD0000000, s2;
	s6 =	simm.s32 $0x108;
	_ =	swait.ge @!p0 [sflag:s8], $0x0  }
0x24: {  	s3 =	sadd.s32 $0x88, s3;
	s6 =	simm.s32 @!p1 $0x1082;
	[sflag:s4] =	ssyncset.s32 $0xFFFFF086  }
0x25: {  	[simem:s6], [sflag:s4] =	dma.local [hbm:s3], $0xF7A  }
0x26: {  	[smem:$0x3F9D] =	sst s1;
	(tag) =	ssettag s2;
	_ =	strace s9  }
0x27: {  	s1 =	sld [smem:$0x3FAD]  }
0x28: {  	s2 =	sld [smem:$0x3FAE]  }
0x29: {  	s4 =	sld [smem:$0x3FB0]  }
0x2a: {  	p0 =	seq.s32 s5, $0x0;
	s5 =	sld [smem:$0x3FB1]  }
0x2b: {  	s6 =	sld [smem:$0x3FB2]  }
0x2c: {  	s7 =	sld [smem:$0x3FB3]  }
0x2d: {  	s3 =	simm.s32 $0x108;
	s8 =	sld [smem:$0x3FB4]  }
0x2e: {  	s3 =	simm.s32 @!p0 $0x1082;
	s9 =	sld [smem:$0x3FB5]  }
0x2f: {  	lr =	sadd.s32 s0, s3;
	s0 =	sld [smem:$0x3FAC]  }
0x30: {  	s3 =	sld [smem:$0x3FAF]  }
0x31: {  	[smem:$0x3FB8] =	sst s10  }
0x32: {  	s10 =	sld [smem:$0x3FB6];
	_ =	sdelay $0x3  }
0x33: {  	p0 =	seq.s32 s10, $0x1;
	s10 =	sld [smem:$0x3FB8];
	_ =	sdelay $0x3  }
0x34: {  	[smem:$0x3FB8] =	sst s10  }
0x35: {  	s10 =	sld [smem:$0x3FB7];
	_ =	sdelay $0x3  }
0x36: {  	p1 =	seq.s32 s10, $0x1;
	s10 =	sld [smem:$0x3FB8];
	_ =	sdelay $0x3  }
0x37: {  	[smem:$0x3FB8] =	sst s10  }
0x38: {  	s10 =	sld [smem:$0x3FB9]  }
0x39: {  	_ = 	snop;
	(pc) =	sbr.ind lr, $3  }
0x3a: {  	_ = 	snop  }
0x3b: {  	_ = 	snop  }
0x3c: {  	p2 =	seq.s32 s10, $0x1;
	s10 =	sld [smem:$0x3FB8]  }
0x3d: {  	_ =	shalt  }
0x3e: {  	_ =	shalt  }
0x3f: {  	_ =	shalt  }
0x40: {  	_ =	shalt  }
0x41: {  	_ =	shalt  }
0x42: {  	_ =	shalt  }
0x43: {  	_ =	shalt  }
0x44: {  	_ =	shalt  }
0x45: {  	_ =	shalt  }
0x46: {  	_ =	shalt  }
0x47: {  	_ =	shalt  }
0x48: {  	_ =	shalt  }
0x49: {  	_ =	shalt  }
0x4a: {  	_ =	shalt  }
0x4b: {  	_ =	shalt  }
0x4c: {  	_ =	shalt  }
0x4d: {  	_ =	shalt  }
0x4e: {  	_ =	shalt  }
0x4f: {  	_ =	shalt  }
0x50: {  	_ =	shalt  }
0x51: {  	_ =	shalt  }
0x52: {  	_ =	shalt  }
0x53: {  	_ =	shalt  }
0x54: {  	_ =	shalt  }
0x55: {  	_ =	shalt  }
0x56: {  	_ =	shalt  }
0x57: {  	_ =	shalt  }
0x58: {  	_ =	shalt  }
0x59: {  	_ =	shalt  }
0x5a: {  	_ =	shalt  }
0x5b: {  	_ =	shalt  }
0x5c: {  	_ =	shalt  }
0x5d: {  	_ =	shalt  }
0x5e: {  	_ =	shalt  }
0x5f: {  	_ =	shalt  }
0x60: {  	_ =	shalt  }
0x61: {  	_ =	shalt  }
0x62: {  	_ =	shalt  }
0x63: {  	_ =	shalt  }
0x64: {  	_ =	shalt  }
0x65: {  	_ =	shalt  }
0x66: {  	_ =	shalt  }
0x67: {  	_ =	shalt  }
0x68: {  	_ =	shalt  }
0x69: {  	_ =	shalt  }
0x6a: {  	_ =	shalt  }
0x6b: {  	_ =	shalt  }
0x6c: {  	_ =	shalt  }
0x6d: {  	_ =	shalt  }
0x6e: {  	_ =	shalt  }
0x6f: {  	_ =	shalt  }
0x70: {  	_ =	shalt  }
0x71: {  	_ =	shalt  }
0x72: {  	_ =	shalt  }
0x73: {  	_ =	shalt  }
0x74: {  	_ =	shalt  }
0x75: {  	_ =	shalt  }
0x76: {  	_ =	shalt  }
0x77: {  	_ =	shalt  }
0x78: {  	_ =	shalt  }
0x79: {  	_ =	shalt  }
0x7a: {  	_ =	shalt  }
0x7b: {  	_ =	shalt  }
0x7c: {  	_ =	shalt  }
0x7d: {  	_ =	shalt  }
0x7e: {  	_ =	shalt  }
0x7f: {  	_ =	shalt  }
0x80: {  	_ =	shalt  }
0x81: {  	_ =	shalt  }
0x82: {  	_ =	shalt  }
0x83: {  	_ =	shalt  }
0x84: {  	_ =	shalt  }
0x85: {  	_ =	shalt  }
0x86: {  	_ =	shalt  }
0x87: {  	_ =	shalt  }
.Lfunc_end0:
.L_simem_size_0:
called_computation_lowered:
.L_overlay_start_0:
0x88: {  	s2 =	sld [smem:$0x3FD9]  }
0x89: {  	s3 =	sld [smem:$0x3FFE];
	_ =	sdelay $0x1  }
0x8a: {  	s1 =	srdreg.scid  }
0x8b: {  	s0 =	sand.u32 $0x1, s1  }
0x8c: {  	s17 =	sshll.u32 s0, $0xA;
	s2 =	sadd.s32 s3, s2  }
0x8d: {  	s2 =	sadd.s32 s2, s17  }
0x8e: {  	[smem:$0x3FC4] =	sst s2  }
0x8f: {  	_ = 	snop  }
0x90: {  	s2 =	sld [smem:$0x3FD0];
	(tm) =	ssettm $0x1  }
0x91: {  	s18 =	sld [smem:$0x3FFB];
	_ =	sdelay $0x3  }
0x92: {  	_ =	strace s18  }
0x93: {  	s3 =	sld [smem:$0x3FFC];
	_ =	sdelay $0x3  }
0x94: {  	_ =	strace s3  }
0x95: {  	s3 =	sld [smem:$0x3FFD];
	_ =	sdelay $0x3  }
0x96: {  	_ =	strace s3  }
0x97: {  	_ =	strace $0x8FFFFFFF  }
0x98: {  	s19 =	sld [smem:$0x3FDB];
	_ =	sdelay $0x1  }
0x99: {  	s4 =	simm.s32 $_scs_section_size  }
0x9a: {  	s5 =	simm.s32 $_size__tile_overlayer_lowered;
	s6 =	simm.s32 $_tile_overlayer_lowered  }
0x9b: {  	s22 =	simm.s32 $0x1BFF;
	s21 =	sshll.u32 s6, $0x1;
	s3 =	sadd.s32 s4, s19  }
0x9c: {  	s7 =	simm.s32 $0x0;
	s20 =	sshll.u32 s5, $0x1;
	s5 =	sadd.s32 s21, s3  }
0x9d: {  	[timem:s7], [sflag:s22] =	dma.local [hbm:s5], s20  }
0x9e: {  	_ =	swait.ge [sflag:s22], s20  }
0x9f: {  	s4 =	ssub.s32 $0x0, s20;
	[sflag:s22] =	ssyncset.done $0x0  }
0xa0: {  	[sflag:s22] =	ssyncadd.s32 s4;
	_ =	sdelay $0x1  }
0xa1: {  	s23 =	simm.s32 $0x1B8B  }
0xa2: {  	_ =	swait.ge [sflag:s23], $0x1  }
0xa3: {  	[sflag:s23] =	ssyncset.done $0x0  }
0xa4: {  	s25 =	simm.s32 $0x1B8E;
	s24 =	sld [smem:$0x3FFE];
	[sflag:s23] =	ssyncadd.s32 $0xFFFFFFFF  }
0xa5: {  	s26 =	simm.s32 $execute0_lowered;
	[smem:$0x3FD2] =	sst s25  }
0xa6: {  	s5 =	sshll.u32 s26, $0x1;
	_ =	strace $0x80000046;
	[dreg:$0x1] =	wrdreg $0xFFFFFFFF  }
0xa7: {  	s28 =	simm.s32 $_size_execute0_lowered;
	s3 =	sadd.s32 s3, s5;
	[dreg:$0x0] =	wrdreg $0x0  }
0xa8: {  	s5 =	sshll.u32 s28, $0x1;
	[dreg:$0x2] =	wrdreg s3  }
0xa9: {  	[dreg:$0x3] =	wrdreg s5  }
0xaa: {  	[dreg:$0x4] =	wrdreg $0xC0  }
0xab: {  	_ =	task [dreg:s7], $0x5FFFF  }
0xac: {  	[dreg:$0x1] =	wrdreg $0xFFFFFFFF  }
0xad: {  	[dreg:$0x0] =	wrdreg $0x60  }
0xae: {  	[dreg:$0x2] =	wrdreg s24  }
0xaf: {  	[dreg:$0x3] =	wrdreg s2  }
0xb0: {  	[dreg:$0x4] =	wrdreg $0x7A800  }
0xb1: {  	[dreg:$0x5] =	wrdreg $0x1BA800  }
0xb2: {  	[dreg:$0x6] =	wrdreg $0x9  }
0xb3: {  	_ =	task.clear_ibuf [dreg:s7], $0x7FFFF;
	_ =	strace $0x90000046  }
0xb4: {  	s29 =	simm.s32 $0x9;
	_ =	strace $0x80000048  }
0xb5: {  	_ =	swait.ge [sflag:s29], $0x1  }
0xb6: {  	[sflag:s29] =	ssyncadd.s32 $0xFFFFFFFF  }
0xb7: {  	_ =	strace $0x90000048  }
0xb8: {  	_ =	sfence  }
0xb9: {  	s30 =	sld [smem:$0x0];
	_ =	sdelay $0x2  }
0xba: {  	s31 =	sshll.u32 s1, $0xD;
	s1 =	sshrl.u32 s1, $0x2  }
0xbb: {  	s3 =	sand.u32 $0x4000, s31;
	s1 =	sadd.s32 s1, s30  }
0xbc: {  	s0 =	sor.u32 s3, s0;
	s1 =	sshll.u32 s1, $0x11  }
0xbd: {  	s0 =	sor.u32 s1, s0  }
0xbe: {  	s0 =	sadd.s32 $0x8F2B, s0  }
0xbf: {  	[sflag:s0] =	ssyncadd.remote.s32 $0x1  }
0xc0: {  	_ =	sfence.sel $0xFFFF  }
0xc1: {  	[dreg:$0x0] =	wrdreg $0xFFFFFFFF;
	(pc) =	sbr.abs _section_cstart, $3  }
0xc2: {  	[dreg:$0x1] =	wrdreg $0xFFFFFFFF  }
0xc3: {  	_ =	task.clear_ibuf [dreg:s7], $0x2FFFF;
	_ =	strace $0x9FFFFFFF  }
0xc4: {  	(tm) =	ssettm $0x7FFFFFFF  }
0xc5: {  	_ =	shalt  }
tec
execute0_lowered:
.L_overlay_start_1:
0x0: {  	(tag) =	ssettag $0x1  }
0x1: {  	s2 =	rddreg [dreg:$0x0]  }
0x2: {  	s0 =	rddreg [dreg:$0x1]  }
0x3: {  	s1 =	rddreg [dreg:$0x2];
	s4 =	srdreg.scid  }
0x4: {  	s3 =	rddreg [dreg:$0x3];
	s9 =	stileid.u32;
	s28 =	simm.s32 $0x50  }
0x5: {  	s29 =	simm.s32 $0x280;
	s30 =	simm.s32 $0x2;
	s6 =	smul.u32 $0x14000, s9  }
0x6: {  	s31 =	simm.s32 $0x2A80;
	s7 =	sand.u32 $0x1, s4;
	s19 =	smul.u32 $0x50000, s9  }
0x7: {  	s4 =	simm.s32 $0x0;
	s11 =	sadd.s32 $0x284C00, s2;
	s13 =	smul.u32 $0x5000, s9  }
0x8: {  	s18 =	sshll.u32 s9, $0x1;
	s20 =	smul.u32 $0x9C40, s9;
	s21 =	sshll.u32 s9, $0x6  }
0x9: {  	p0 =	sne.s32 s9, $0x0;
	s9 =	simm.s32 $0x4;
	s5 =	smul.u32 $0x140000, s7  }
0xa: {  	[smem:$0x7FF] =	sst s4;
	s10 =	smul.u32 $0x2800, s7;
	s12 =	ssub.s32 $0x2, s7  }
0xb: {  	_ =	strace $0x80000047;
	[dreg:$0x5] =	wrdreg s11;
	s14 =	sshrl.u32 s12, $0x1  }
0xc: {  	s13 =	sshrl.u32 s13, $0x2;
	s6 =	sadd.s32 s6, s5;
	s5 =	sadd.s32 $0x13C00, s2  }
0xd: {  	s12 =	ssub.s32 s12, s14;
	s13 =	sadd.s32 s13, s3;
	s8 =	sshrl.u32 s6, $0x3  }
0xe: {  	s6 =	sadd.s32 $0x200, s2;
	[dreg:$0x6] =	wrdreg s13;
	s17 =	sadd.s32 s8, s2  }
0xf: {  	s2 =	sadd.s32 s10, s2;
	s8 =	sor.u32 s7, s18;
	s7 =	smul.u32 $0x4E20, s7  }
0x10: {  	s10 =	sshrl.u32 s19, $0x2;
	s15 =	smul.u32 $0x4E20, s8;
	s8 =	sor.u32 $0x1C05, s21  }
0x11: {  	s10 =	sadd.s32 s10, s1;
	s11 =	sadd.s32 $0x28C400, s17;
	s2 =	sadd.s32 $0x287400, s2  }
0x12: {  	s21 =	simm.s32 $0x5;
	s7 =	sadd.s32 s7, s20;
	[dreg:$0xb] =	wrdreg s11  }
0x13: {  	[dreg:$0xc] =	wrdreg s2;
	s20 =	sshrl.u32 s10, $0x3;
	s2 =	simm.s32 $0x3  }
0x14: {  	s10 =	simm.s32 $0x0;
	s22 =	sshrl.u32 s15, $0x3;
	s16 =	sadd.s32 $0xF0, s7  }
0x15: {  	s15 =	sadd.s32 s0, s22;
	s23 =	sadd.s32 $0xA, s22;
	s13 =	sadd.s32 s6, s22  }
0x16: {  	s26 =	sshrl.u32 s16, $0x3;
	s16 =	smax.u32 s12, $0x1;
	s12 =	sadd.s32 $0xA0, s7  }
.Ltmp0:
0x17: {  	v0 =	vlaneseq.u32;
	s22 =	simm.s32 $0x5280;
	[dreg:$0x7] =	wrdreg s15;
	(pc) =	sbr.rel .LBB2_1-.Ltmp0, $4  }
0x18: {  	v0 =	vmul.u32 $0x80, v0;
	s7 =	simm.s32 $0x200;
	[dreg:$0x8] =	wrdreg s13;
	s24 =	sadd.s32 s0, s23  }
0x19: {  	s25 =	sadd.s32 s6, s23;
	s17 =	sadd.s32 s26, s6;
	s18 =	sadd.s32 s26, s0  }
0x1a: {  	v1 =	vimm.f32 $0.0e+00;
	v2 =	vimm.f32 $1.000000000e+00;
	v3 =	vor.u32 $0x800, v0;
	s23 =	simm.s32 $0x100;
	s26 =	simm.s32 $0x1;
	[dreg:$0x9] =	wrdreg s24  }
0x1b: {  	v4 =	vor.u32 $0x1000, v0;
	v5 =	vor.u32 $0x1800, v0;
	v6 =	vor.u32 $0x2000, v0;
	[dreg:$0xa] =	wrdreg s25;
	s24 =	simm.s32 $0x80;
	s25 =	simm.s32 $0x180  }
.LBB2_6:
0x1c: {  	[bflag:$0x0] =	sbarrier.arrive $0xFFFF  }
0x1d: {  	s11 =	rddreg [dreg:$0xb]  }
0x1e: {  	[hbm:s11], [sflag:s8] =	dma.local [spmem:s20], $0x2800  }
0x1f: {  	s10 =	sadd.s32 $0x1, s10;
	_ =	swait.ge [sflag:s21], $0x2800  }
0x20: {  	p1 =	sne.s32 s10, s16;
	[sflag:s21] =	ssyncset.done $0x0  }
0x21: {  	s11 =	sshrl.u32 @!p0 s3, $0x3;
	s13 =	rddreg [dreg:$0xc];
	[sflag:s21] =	ssyncadd.s32 $0xFFFFD800  }
0x22: {  	[hbm:s13], [sflag:s8] =	dma.local @!p0 [spmem:s11], $0x2800  }
.Ltmp1:
0x23: {  	_ = 	snop;
	(pc) =	sbr.rel @!p1 .LBB2_7-.Ltmp1, $4  }
0x24: {  	s11 =	simm.s32 @!p0 $0x5  }
0x25: {  	_ =	swait.ge @!p0 [sflag:s11], $0x2800  }
0x26: {  	[sflag:s11] =	ssyncset.done @!p0 $0x0  }
0x27: {  	[sflag:s11] =	ssyncadd.s32 @!p0 $0xFFFFD800  }
.LBB2_1:
0x28: {  	s11 =	rddreg [dreg:$0x5]  }
0x29: {  	[spmem:s20], [sflag:s8] =	dma.local [hbm:s11], $0x2800  }
0x2a: {  	_ =	swait.ge [sflag:s21], $0x2800  }
0x2b: {  	[sflag:s21] =	ssyncset.done $0x0  }
0x2c: {  	s19 =	simm.s32 $0x0;
	s11 =	simm.s32 $0x200;
	[sflag:s21] =	ssyncadd.s32 $0xFFFFD800  }
.LBB2_2:
0x2d: {  	p1 =	sne.s32 s11, $0x9E00;
	[tilespmem:s19+$0x5280] =	vst v1;
	s19 =	smov.u32 s11;
	s11 =	sadd.s32 $0x200, s11  }
.Ltmp2:
0x2e: {  	(pc) =	sbr.rel @p1 .LBB2_2-.Ltmp2, $2  }
0x2f: {  	_ =	sdelay $0x2  }
0x30: {  	s19 =	sshra.s32 s19, $0x2  }
0x31: {  	[tilespmem:s19+$0x5280] =	vst v1;
	s11 =	rddreg [dreg:$0x6]  }
0x32: {  	[spmem:s11] =	stream.linear.scatter [tilespmem:s22], [sflag:$0x5], $0x1400, $0x38;
	[tilespmem:$0x1BD00] =	vst v63  }
0x33: {  	_ =	swait.ge [sflag:s21], $0x1400  }
0x34: {  	[sflag:s21] =	ssyncset.done $0x0  }
0x35: {  	[sflag:s21] =	ssyncadd.s32 $0xFFFFEC00  }
0x36: {  	[bflag:$0x0] =	sbarrier.arrive $0xFFFF  }
0x37: {  	s11 =	simm.s32 $0x0;
	s13 =	rddreg [dreg:$0x7]  }
0x38: {  	[tilespmem:s11], [sflag:$0x1] =	stream.linear.gather [hbm4b:s13+s11], $0x50, $0x38;
	[tilespmem:$0x1BD00] =	vst v63  }
0x39: {  	s14 =	rddreg [dreg:$0x8]  }
0x3a: {  	[tilespmem:s23], [sflag:$0x1] =	stream.linear.gather [hbm4b:s14+s11], $0x50, $0x38;
	[tilespmem:$0x1BD00] =	vst v63  }
0x3b: {  	s15 =	rddreg [dreg:$0x9]  }
0x3c: {  	[tilespmem:s24], [sflag:$0x2] =	stream.linear.gather [hbm4b:s15+s11], $0x50, $0x38;
	[tilespmem:$0x1BD00] =	vst v63  }
0x3d: {  	s19 =	rddreg [dreg:$0xa]  }
0x3e: {  	[tilespmem:s25], [sflag:$0x2] =	stream.linear.gather [hbm4b:s19+s11], $0x50, $0x38;
	[tilespmem:$0x1BD00] =	vst v63  }
0x3f: {  	_ =	swait.ge [sflag:s26], $0x50  }
0x40: {  	[sflag:s26] =	ssyncset.done $0x0  }
0x41: {  	[sflag:s26] =	ssyncadd.s32 $0xFFFFFFB0  }
0x42: {  	_ =	swait.ge [sflag:s26], $0x50  }
0x43: {  	[sflag:s26] =	ssyncset.done $0x0  }
0x44: {  	s19 =	smov.u32 s12;
	[sflag:s26] =	ssyncadd.s32 $0xFFFFFFB0  }
0x45: {  	[tilespmem:s29], [sflag:$0x3] =	stream.indirect.gather [hbm4b:s5+s28], $0x80, s11, s28, $0xb8;
	[tilespmem:$0x1BD00] =	vst v63  }
.LBB2_4:
0x46: {  	_ =	swait.ge [sflag:s30], $0x50  }
0x47: {  	[sflag:s30] =	ssyncset.done $0x0  }
0x48: {  	[sflag:s30] =	ssyncadd.s32 $0xFFFFFFB0  }
0x49: {  	_ =	swait.ge [sflag:s30], $0x50  }
0x4a: {  	[sflag:s30] =	ssyncset.done $0x0  }
0x4b: {  	[sflag:s30] =	ssyncadd.s32 $0xFFFFFFB0  }
0x4c: {  	[tilespmem:s31], [sflag:$0x4] =	stream.indirect.gather [hbm4b:s5+s28], $0x80, s24, s28, $0xb8;
	[tilespmem:$0x1BD00] =	vst v63  }
0x4d: {  	_ =	swait.ge [sflag:s2], $0x2800  }
0x4e: {  	[sflag:s2] =	ssyncset.done $0x0  }
0x4f: {  	[sflag:s2] =	ssyncadd.s32 $0xFFFFD800  }
0x50: {  	[spmem:s1] =	stream.indirect.scatter.add.f32 [tilespmem:s29], [sflag:$0x5], $0x80, s23, s28, $0xb8;
	[tilespmem:$0x1BD00] =	vst v63  }
0x51: {  	_ =	swait.ge [sflag:s21], $0x2800  }
0x52: {  	[sflag:s21] =	ssyncset.done $0x0  }
0x53: {  	[sflag:s21] =	ssyncadd.s32 $0xFFFFD800  }
0x54: {  	v7 =	vld [tilespmem:$0x100];
	_ =	sdelay $0x4  }
0x55: {  	v8 =	vand.u32 $0xF, v7  }
0x56: {  	v8 =	vor.u32 v0, v8;
	_ =	sdelay $0x2  }
0x57: {  	v7 =	vshrl.u32 v7, $0x4  }
0x58: {  	[tilespmem:$0x200] =	vst v7  }
0x59: {  	[tilespmem:v8+s22+$0x0] =	vst.idx.msk $0xffff, v2  }
0x5a: {  	v7 =	vld [tilespmem:$0x110];
	_ =	sdelay $0x4  }
0x5b: {  	v8 =	vand.u32 $0xF, v7  }
0x5c: {  	v8 =	vor.u32 v3, v8;
	_ =	sdelay $0x2  }
0x5d: {  	v7 =	vshrl.u32 v7, $0x4  }
0x5e: {  	[tilespmem:$0x210] =	vst v7  }
0x5f: {  	[tilespmem:v8+s22+$0x0] =	vst.idx.msk $0xffff, v2  }
0x60: {  	v7 =	vld [tilespmem:$0x120];
	_ =	sdelay $0x4  }
0x61: {  	v8 =	vand.u32 $0xF, v7  }
0x62: {  	v8 =	vor.u32 v4, v8;
	_ =	sdelay $0x2  }
0x63: {  	v7 =	vshrl.u32 v7, $0x4  }
0x64: {  	[tilespmem:$0x220] =	vst v7  }
0x65: {  	[tilespmem:v8+s22+$0x0] =	vst.idx.msk $0xffff, v2  }
0x66: {  	v7 =	vld [tilespmem:$0x130];
	_ =	sdelay $0x4  }
0x67: {  	v8 =	vand.u32 $0xF, v7  }
0x68: {  	v8 =	vor.u32 v5, v8;
	_ =	sdelay $0x2  }
0x69: {  	v7 =	vshrl.u32 v7, $0x4  }
0x6a: {  	[tilespmem:$0x230] =	vst v7  }
0x6b: {  	[tilespmem:v8+s22+$0x0] =	vst.idx.msk $0xffff, v2  }
0x6c: {  	v7 =	vld [tilespmem:$0x140];
	_ =	sdelay $0x4  }
0x6d: {  	v8 =	vand.u32 $0xF, v7  }
0x6e: {  	v8 =	vor.u32 v6, v8;
	_ =	sdelay $0x2  }
0x6f: {  	v7 =	vshrl.u32 v7, $0x4  }
0x70: {  	[tilespmem:$0x240] =	vst v7  }
0x71: {  	[tilespmem:v8+s22+$0x0] =	vst.idx.msk $0xffff, v2  }
0x72: {  	[spmem:s3] =	stream.indirect.scatter.add.f32 [tilespmem:s22], [sflag:$0x5], $0x10, s7, s28, $0xb8;
	[tilespmem:$0x1BD00] =	vst v63  }
0x73: {  	_ =	swait.ge [sflag:s21], $0x500  }
0x74: {  	[sflag:s21] =	ssyncset.done $0x0  }
0x75: {  	[sflag:s21] =	ssyncadd.s32 $0xFFFFFB00  }
0x76: {  	v7 =	vld [tilespmem:$0x100];
	_ =	sdelay $0x4  }
0x77: {  	v7 =	vand.u32 $0xF, v7  }
0x78: {  	v7 =	vor.u32 v0, v7;
	_ =	sdelay $0x4  }
0x79: {  	[tilespmem:v7+s22+$0x0] =	vst.idx.msk $0xffff, v1  }
0x7a: {  	v7 =	vld [tilespmem:$0x110];
	_ =	sdelay $0x4  }
0x7b: {  	v7 =	vand.u32 $0xF, v7  }
0x7c: {  	v7 =	vor.u32 v3, v7;
	_ =	sdelay $0x4  }
0x7d: {  	[tilespmem:v7+s22+$0x0] =	vst.idx.msk $0xffff, v1  }
0x7e: {  	v7 =	vld [tilespmem:$0x120];
	_ =	sdelay $0x4  }
0x7f: {  	v7 =	vand.u32 $0xF, v7  }
0x80: {  	v7 =	vor.u32 v4, v7;
	_ =	sdelay $0x4  }
0x81: {  	[tilespmem:v7+s22+$0x0] =	vst.idx.msk $0xffff, v1  }
0x82: {  	v7 =	vld [tilespmem:$0x130];
	_ =	sdelay $0x4  }
0x83: {  	v7 =	vand.u32 $0xF, v7  }
0x84: {  	v7 =	vor.u32 v5, v7;
	_ =	sdelay $0x4  }
0x85: {  	[tilespmem:v7+s22+$0x0] =	vst.idx.msk $0xffff, v1  }
0x86: {  	v7 =	vld [tilespmem:$0x140];
	_ =	sdelay $0x4  }
0x87: {  	v7 =	vand.u32 $0xF, v7  }
0x88: {  	v7 =	vor.u32 v6, v7;
	_ =	sdelay $0x2  }
0x89: {  	p1 =	seq.s32 s11, $0x9B0  }
0x8a: {  	s13 =	sshrl.u32 @!p1 s19, $0x3  }
0x8b: {  	s15 =	simm.s32 @!p1 $0x0;
	s14 =	sadd.s32 @!p1 s0, s13;
	[tilespmem:v7+s22+$0x0] =	vst.idx.msk $0xffff, v1  }
0x8c: {  	[tilespmem:s15], [sflag:$0x1] =	stream.linear.gather @!p1 [hbm4b:s14+s15], $0x50, $0x38;
	[tilespmem:$0x1BD00] =	vst v63  }
0x8d: {  	s13 =	sadd.s32 @!p1 s6, s13;
	s14 =	simm.s32 @!p1 $0x100  }
0x8e: {  	[tilespmem:s14], [sflag:$0x1] =	stream.linear.gather @!p1 [hbm4b:s13+s15], $0x50, $0x38;
	[tilespmem:$0x1BD00] =	vst v63  }
0x8f: {  	s13 =	simm.s32 @!p1 $0x1  }
0x90: {  	_ =	swait.ge @!p1 [sflag:s13], $0x50  }
0x91: {  	[sflag:s13] =	ssyncset.done @!p1 $0x0  }
0x92: {  	[sflag:s13] =	ssyncadd.s32 @!p1 $0xFFFFFFB0  }
0x93: {  	_ =	swait.ge @!p1 [sflag:s13], $0x50  }
0x94: {  	[sflag:s13] =	ssyncset.done @!p1 $0x0  }
0x95: {  	s14 =	simm.s32 @!p1 $0x280;
	[sflag:s13] =	ssyncadd.s32 @!p1 $0xFFFFFFB0;
	s13 =	simm.s32 @!p1 $0x50  }
0x96: {  	[tilespmem:s14], [sflag:$0x3] =	stream.indirect.gather @!p1 [hbm4b:s5+s13], $0x80, s15, s13, $0xb8;
	[tilespmem:$0x1BD00] =	vst v63  }
0x97: {  	_ =	swait.ge [sflag:s9], $0x2800  }
0x98: {  	[sflag:s9] =	ssyncset.done $0x0  }
0x99: {  	[sflag:s9] =	ssyncadd.s32 $0xFFFFD800  }
0x9a: {  	[spmem:s1] =	stream.indirect.scatter.add.f32 [tilespmem:s31], [sflag:$0x5], $0x80, s25, s28, $0xb8;
	[tilespmem:$0x1BD00] =	vst v63  }
0x9b: {  	_ =	swait.ge [sflag:s21], $0x2800  }
0x9c: {  	[sflag:s21] =	ssyncset.done $0x0  }
0x9d: {  	[sflag:s21] =	ssyncadd.s32 $0xFFFFD800  }
0x9e: {  	v7 =	vld [tilespmem:$0x180];
	_ =	sdelay $0x4  }
0x9f: {  	v8 =	vand.u32 $0xF, v7  }
0xa0: {  	v8 =	vor.u32 v0, v8;
	_ =	sdelay $0x2  }
0xa1: {  	v7 =	vshrl.u32 v7, $0x4  }
0xa2: {  	[tilespmem:$0x200] =	vst v7  }
0xa3: {  	[tilespmem:v8+s22+$0x0] =	vst.idx.msk $0xffff, v2  }
0xa4: {  	v7 =	vld [tilespmem:$0x190];
	_ =	sdelay $0x4  }
0xa5: {  	v8 =	vand.u32 $0xF, v7  }
0xa6: {  	v8 =	vor.u32 v3, v8;
	_ =	sdelay $0x2  }
0xa7: {  	v7 =	vshrl.u32 v7, $0x4  }
0xa8: {  	[tilespmem:$0x210] =	vst v7  }
0xa9: {  	[tilespmem:v8+s22+$0x0] =	vst.idx.msk $0xffff, v2  }
0xaa: {  	v7 =	vld [tilespmem:$0x1A0];
	_ =	sdelay $0x4  }
0xab: {  	v8 =	vand.u32 $0xF, v7  }
0xac: {  	v8 =	vor.u32 v4, v8;
	_ =	sdelay $0x2  }
0xad: {  	v7 =	vshrl.u32 v7, $0x4  }
0xae: {  	[tilespmem:$0x220] =	vst v7  }
0xaf: {  	[tilespmem:v8+s22+$0x0] =	vst.idx.msk $0xffff, v2  }
0xb0: {  	v7 =	vld [tilespmem:$0x1B0];
	_ =	sdelay $0x4  }
0xb1: {  	v8 =	vand.u32 $0xF, v7  }
0xb2: {  	v8 =	vor.u32 v5, v8;
	_ =	sdelay $0x2  }
0xb3: {  	v7 =	vshrl.u32 v7, $0x4  }
0xb4: {  	[tilespmem:$0x230] =	vst v7  }
0xb5: {  	[tilespmem:v8+s22+$0x0] =	vst.idx.msk $0xffff, v2  }
0xb6: {  	v7 =	vld [tilespmem:$0x1C0];
	_ =	sdelay $0x4  }
0xb7: {  	v8 =	vand.u32 $0xF, v7  }
0xb8: {  	v8 =	vor.u32 v6, v8;
	_ =	sdelay $0x2  }
0xb9: {  	v7 =	vshrl.u32 v7, $0x4  }
0xba: {  	[tilespmem:$0x240] =	vst v7  }
0xbb: {  	[tilespmem:v8+s22+$0x0] =	vst.idx.msk $0xffff, v2  }
0xbc: {  	[spmem:s3] =	stream.indirect.scatter.add.f32 [tilespmem:s22], [sflag:$0x5], $0x10, s7, s28, $0xb8;
	[tilespmem:$0x1BD00] =	vst v63  }
0xbd: {  	_ =	swait.ge [sflag:s21], $0x500  }
0xbe: {  	[sflag:s21] =	ssyncset.done $0x0  }
0xbf: {  	[sflag:s21] =	ssyncadd.s32 $0xFFFFFB00  }
0xc0: {  	v7 =	vld [tilespmem:$0x180];
	_ =	sdelay $0x4  }
0xc1: {  	v7 =	vand.u32 $0xF, v7  }
0xc2: {  	v7 =	vor.u32 v0, v7;
	_ =	sdelay $0x4  }
0xc3: {  	[tilespmem:v7+s22+$0x0] =	vst.idx.msk $0xffff, v1  }
0xc4: {  	v7 =	vld [tilespmem:$0x190];
	_ =	sdelay $0x4  }
0xc5: {  	v7 =	vand.u32 $0xF, v7  }
0xc6: {  	v7 =	vor.u32 v3, v7;
	_ =	sdelay $0x4  }
0xc7: {  	[tilespmem:v7+s22+$0x0] =	vst.idx.msk $0xffff, v1  }
0xc8: {  	v7 =	vld [tilespmem:$0x1A0];
	_ =	sdelay $0x4  }
0xc9: {  	v7 =	vand.u32 $0xF, v7  }
0xca: {  	v7 =	vor.u32 v4, v7;
	_ =	sdelay $0x4  }
0xcb: {  	[tilespmem:v7+s22+$0x0] =	vst.idx.msk $0xffff, v1  }
0xcc: {  	v7 =	vld [tilespmem:$0x1B0];
	_ =	sdelay $0x4  }
0xcd: {  	v7 =	vand.u32 $0xF, v7  }
0xce: {  	v7 =	vor.u32 v5, v7;
	_ =	sdelay $0x4  }
0xcf: {  	[tilespmem:v7+s22+$0x0] =	vst.idx.msk $0xffff, v1  }
0xd0: {  	v7 =	vld [tilespmem:$0x1C0];
	_ =	sdelay $0x4  }
0xd1: {  	v7 =	vand.u32 $0xF, v7  }
0xd2: {  	v7 =	vor.u32 v6, v7  }
.Ltmp3:
0xd3: {  	_ = 	snop;
	(pc) =	sbr.rel @p1 .LBB2_6-.Ltmp3, $2  }
0xd4: {  	_ =	sdelay $0x2  }
0xd5: {  	[tilespmem:v7+s22+$0x0] =	vst.idx.msk $0xffff, v1  }
.Ltmp4:
0xd6: {  	(pc) =	sbr.rel .LBB2_4-.Ltmp4, $4  }
0xd7: {  	s13 =	sadd.s32 s11, s18  }
0xd8: {  	[tilespmem:s24], [sflag:$0x2] =	stream.linear.gather [hbm4b:s13+s4], $0x50, $0x38;
	[tilespmem:$0x1BD00] =	vst v63  }
0xd9: {  	s15 =	sadd.s32 s11, s17;
	s11 =	sadd.s32 $0x14, s11;
	s19 =	sadd.s32 $0xA0, s19  }
0xda: {  	[tilespmem:s25], [sflag:$0x2] =	stream.linear.gather [hbm4b:s15+s4], $0x50, $0x38;
	[tilespmem:$0x1BD00] =	vst v63  }
.LBB2_7:
0xdb: {  	_ =	sfence.sel $0x180000  }
0xdc: {  	[bflag:$0x0] =	sbarrier.arrive $0xFFFF  }
0xdd: {  	_ =	strace $0x90000047  }
0xde: {  	[bflag:$0x2] =	sbarrier.arrive $0xFFFF  }
0xdf: {  	s0 =	rddreg [dreg:$0x4]  }
0xe0: {  	s0 =	sadd.s32 @!p0 $0x100000, s0  }
0xe1: {  	[sflag:s0] =	ssyncadd.tile.s32 @!p0 $0x1;
	_ =	shalt  }
.Lfunc_end2:
_tile_overlayer_lowered:
.L_overlay_start_2:
0xe2: {  	(tag) =	ssettag $0x2  }
0xe3: {  	s0 =	rddreg [dreg:$0x0];
	s2 =	stileid.u32  }
0xe4: {  	s1 =	rddreg [dreg:$0x1];
	p0 =	sne.s32 s2, $0x0  }
0xe5: {  	s3 =	rddreg [dreg:$0x2];
	[bflag:$0x3] =	sbarrier.arrive $0xFFFF;
	s2 =	simm.s32 @!p0 $0x1C05  }
0xe6: {  	[timem:s3], [sflag:s2] =	dma.local @!p0 [hbm:s0], s1  }
0xe7: {  	s0 =	simm.s32 @!p0 $0x5  }
0xe8: {  	_ =	swait.ge @!p0 [sflag:s0], s1  }
0xe9: {  	s1 =	ssub.s32 @!p0 $0x0, s1;
	[sflag:s0] =	ssyncset.done @!p0 $0x0  }
0xea: {  	[sflag:s0] =	ssyncadd.s32 @!p0 s1  }
0xeb: {  	[bflag:$0x3] =	sbarrier.arrive $0xFFFF  }
0xec: {  	_ =	shalt  }

</sc_bundles>
